<compile_context>
chip_gen: v7x
topology: tpu7x:2x2x1
jax: 0.10.2.dev20260603
libtpu: 0.0.44.dev20260713+nightly
codegen_flags: <defaults>
</compile_context>

<pallas_src>
import functools

import jax
import jax.numpy as jnp
from jax import lax
from jax.experimental import pallas as pl
from jax.experimental.pallas import tpu as pltpu
from jax.experimental.pallas import tpu_sc as plsc

_B, _L, _D = 4096, 200, 64
_N = _B * _L
_NW = 32
_PER_W = _N // _NW
_CHUNK = 400
_NBUF = 4
_NCHUNK = _PER_W // _CHUNK
_NROUND = _NCHUNK // _NBUF


def _emb_body(idx_hbm, table_hbm, out_hbm, idx_v, rows_v, gsem, wsem):
    wid = lax.axis_index("s") * 2 + lax.axis_index("c")
    base = wid * _PER_W
    pltpu.sync_copy(idx_hbm.at[pl.ds(base, _PER_W)], idx_v)

    def _gather_args(c, b):
        off = pl.multiple_of(c * _CHUNK, _CHUNK)
        return (
            table_hbm.at[idx_v.at[pl.ds(off, _CHUNK)]],
            rows_v.at[b],
            gsem.at[b],
        )

    def _write_args(c, b):
        off = pl.multiple_of(c * _CHUNK, _CHUNK)
        return (
            rows_v.at[b],
            out_hbm.at[pl.ds(base + off, _CHUNK), pl.ds(0, _D)],
            wsem.at[b],
        )

    for b in range(_NBUF):
        pltpu.async_copy(*_gather_args(b, b))

    def round_body(g, carry):
        for b in range(_NBUF):
            c = g * _NBUF + b
            pltpu.make_async_copy(*_gather_args(c, b)).wait()
            pltpu.async_copy(*_write_args(c, b))
            pltpu.make_async_copy(*_write_args(c, b)).wait()
            pltpu.async_copy(*_gather_args(c + _NBUF, b))
        return carry

    lax.fori_loop(0, _NROUND - 1, round_body, 0)

    for b in range(_NBUF):
        c = (_NROUND - 1) * _NBUF + b
        pltpu.make_async_copy(*_gather_args(c, b)).wait()
        pltpu.async_copy(*_write_args(c, b))
        pltpu.make_async_copy(*_write_args(c, b)).wait()


_emb = functools.partial(
    pl.kernel,
    out_type=jax.ShapeDtypeStruct((_N, 2 * _D), jnp.float32),
    mesh=plsc.VectorSubcoreMesh(core_axis_name="c", subcore_axis_name="s"),
    scratch_types=[
        pltpu.VMEM((_PER_W,), jnp.int32),
        pltpu.VMEM((_NBUF, _CHUNK, _D), jnp.float32),
        pltpu.SemaphoreType.DMA((_NBUF,)),
        pltpu.SemaphoreType.DMA((_NBUF,)),
    ],
    compiler_params=pltpu.CompilerParams(
        use_tc_tiling_on_sc=False, needs_layout_passes=False
    ),
)(_emb_body)


@jax.jit
def kernel(token_ids, weight):
    idx = token_ids.reshape(_N).astype(jnp.int32)
    out2 = _emb(idx, weight)
    return out2[:, : _D].reshape(_B, _L, _D)

# --- scband reference (transcript-rebuilt; emitter-appended) ---
"""Pipeline reference for scband-embedding-25142738550995 (READ-ONLY COPY).

The authoritative reference and input builder live on the scoring server;
editing this copy changes nothing except your own understanding.
"""

import jax, jax.numpy as jnp
import numpy as np

VOCAB = 1000000
D_MODEL = 64

def setup_inputs(seed: int = 0) -> dict:
    key = jax.random.key(seed)
    k1, k2 = jax.random.split(key)
    token_ids = jax.random.randint(k1, (4096, 200), 0, VOCAB, dtype=jnp.int64 if jax.config.jax_enable_x64 else jnp.int32)
    # trunc_normal_(mean=0, std=1, a=-3, b=3)
    weight = jax.random.truncated_normal(k2, -3.0, 3.0, (VOCAB, D_MODEL), dtype=jnp.float32)
    return {"token_ids": token_ids, "weight": weight}

def reference(token_ids, weight):
    # weight[token_ids] gather: [B, L] -> [B, L, D]
    return jnp.take(weight, token_ids, axis=0)

if __name__ == "__main__":
    import jax
    _d = setup_inputs()
    print(jax.jit(kernel)(*tuple(_d.values())))

</pallas_src>

<mosaic_0001>
#map = affine_map<(d0, d1) -> (0)>
#map1 = affine_map<(d0, d1) -> (0, 0)>
module attributes {stable_mosaic.version = 14 : i64} {
  func.func @_emb_body(%arg0: i32, %arg1: i32, %arg2: memref<819200xi32, #tpu.memory_space<hbm>>, %arg3: memref<1000000x64xf32, #tpu.memory_space<hbm>>, %arg4: memref<819200x128xf32, #tpu.memory_space<hbm>>, %arg5: memref<25600xi32, #tpu.memory_space<vmem>>, %arg6: memref<4x400x64xf32, #tpu.memory_space<vmem>>, %arg7: memref<4x!tpu.dma_semaphore, #tpu.memory_space<semaphore_mem>>, %arg8: memref<4x!tpu.dma_semaphore, #tpu.memory_space<semaphore_mem>>) attributes {dimension_semantics = [#tpu.dimension_semantics<core_parallel>, #tpu.dimension_semantics<subcore_parallel>], iteration_bounds = array<i64: 2, 16>, scalar_prefetch = 0 : i64, scratch_operands = 4 : i64, tpu.core_type = #tpu.core_type<sc_vector_subcore>, window_params = [{transform_indices = #map}, {transform_indices = #map1}, {transform_indices = #map1}]} {
    %mul3A = arith.constant 2 : i32
    %mul3A_0 = arith.muli %arg1, %mul3A : i32
    %add3A = arith.addi %mul3A_0, %arg0 : i32
    %mul3A_1 = arith.constant 25600 : i32
    %mul3A_2 = arith.muli %add3A, %mul3A_1 : i32
    "tpu.region"() ({
      %run_scoped3A = tpu.sem_alloc : memref<!tpu.dma_semaphore, #tpu.memory_space<semaphore_mem>>
      %dma_start3A_269 = tpu.memref_slice %arg2[%mul3A_2] : memref<819200xi32, #tpu.memory_space<hbm>> -> memref<25600xi32, #tpu.memory_space<hbm>>
      %dma_start3A_270 = tpu.memref_slice %arg2[%mul3A_2] : memref<819200xi32, #tpu.memory_space<hbm>> -> memref<25600xi32, #tpu.memory_space<hbm>>
      tpu.enqueue_dma source(%dma_start3A_270 : memref<25600xi32, #tpu.memory_space<hbm>>) target(%arg5 : memref<25600xi32, #tpu.memory_space<vmem>>) target_semaphore(%run_scoped3A : memref<!tpu.dma_semaphore, #tpu.memory_space<semaphore_mem>>)
      %dma_wait3A_271 = tpu.memref_slice %arg2[%mul3A_2] : memref<819200xi32, #tpu.memory_space<hbm>> -> memref<25600xi32, #tpu.memory_space<hbm>>
      %dma_wait3A_272 = tpu.memref_slice %arg2[%mul3A_2] : memref<819200xi32, #tpu.memory_space<hbm>> -> memref<25600xi32, #tpu.memory_space<hbm>>
      tpu.wait_dma2 semaphore(%run_scoped3A : memref<!tpu.dma_semaphore, #tpu.memory_space<semaphore_mem>>) src(%dma_wait3A_272 : memref<25600xi32, #tpu.memory_space<hbm>>) dst(%arg5 : memref<25600xi32, #tpu.memory_space<vmem>>)
      tpu.yield
    }) : () -> ()
    %multiple_of3A = arith.constant 0 : i32
    %multiple_of3A_3 = tpu.assume_multiple %multiple_of3A, 400 : i32
    %dma_start3A = arith.constant 0 : i32
    %dma_start3A_4 = arith.constant 0 : i32
    %dma_start3A_5 = arith.constant 0 : i32
    %dma_start3A_6 = arith.constant 0 : i32
    %dma_start3A_7 = tpu.memref_slice %arg6[%dma_start3A, %dma_start3A_5, %dma_start3A_6] : memref<4x400x64xf32, #tpu.memory_space<vmem>> -> memref<1x400x64xf32, #tpu.memory_space<vmem>>
    %dma_start3A_8 = tpu.memref_squeeze %dma_start3A_7 : memref<1x400x64xf32, #tpu.memory_space<vmem>> -> memref<400x64xf32, #tpu.memory_space<vmem>>
    %dma_start3A_9 = tpu.memref_slice %arg5[%multiple_of3A_3] : memref<25600xi32, #tpu.memory_space<vmem>> -> memref<400xi32, #tpu.memory_space<vmem>>
    %dma_start3A_10 = arith.constant 0 : i32
    %dma_start3A_11 = arith.constant 0 : i32
    %dma_start3A_12 = tpu.memref_slice %arg3[%dma_start3A_10, %dma_start3A_11] : memref<1000000x64xf32, #tpu.memory_space<hbm>> -> memref<1000000x64xf32, #tpu.memory_space<hbm>>
    %dma_start3A_13 = tpu.memref_slice %arg7[%dma_start3A_4] : memref<4x!tpu.dma_semaphore, #tpu.memory_space<semaphore_mem>> -> memref<1x!tpu.dma_semaphore, #tpu.memory_space<semaphore_mem>>
    %dma_start3A_14 = tpu.memref_squeeze %dma_start3A_13 : memref<1x!tpu.dma_semaphore, #tpu.memory_space<semaphore_mem>> -> memref<!tpu.dma_semaphore, #tpu.memory_space<semaphore_mem>>
    tpu.enqueue_indirect_dma source(%dma_start3A_12 : memref<1000000x64xf32, #tpu.memory_space<hbm>>) target(%dma_start3A_8 : memref<400x64xf32, #tpu.memory_space<vmem>>) offsets(%dma_start3A_9 : memref<400xi32, #tpu.memory_space<vmem>>) semaphore(%dma_start3A_14 : memref<!tpu.dma_semaphore, #tpu.memory_space<semaphore_mem>>)
    %multiple_of3A_15 = arith.constant 400 : i32
    %multiple_of3A_16 = tpu.assume_multiple %multiple_of3A_15, 400 : i32
    %dma_start3A_17 = arith.constant 1 : i32
    %dma_start3A_18 = arith.constant 1 : i32
    %dma_start3A_19 = arith.constant 0 : i32
    %dma_start3A_20 = arith.constant 0 : i32
    %dma_start3A_21 = tpu.memref_slice %arg6[%dma_start3A_17, %dma_start3A_19, %dma_start3A_20] : memref<4x400x64xf32, #tpu.memory_space<vmem>> -> memref<1x400x64xf32, #tpu.memory_space<vmem>>
    %dma_start3A_22 = tpu.memref_squeeze %dma_start3A_21 : memref<1x400x64xf32, #tpu.memory_space<vmem>> -> memref<400x64xf32, #tpu.memory_space<vmem>>
    %dma_start3A_23 = tpu.memref_slice %arg5[%multiple_of3A_16] : memref<25600xi32, #tpu.memory_space<vmem>> -> memref<400xi32, #tpu.memory_space<vmem>>
    %dma_start3A_24 = arith.constant 0 : i32
    %dma_start3A_25 = arith.constant 0 : i32
    %dma_start3A_26 = tpu.memref_slice %arg3[%dma_start3A_24, %dma_start3A_25] : memref<1000000x64xf32, #tpu.memory_space<hbm>> -> memref<1000000x64xf32, #tpu.memory_space<hbm>>
    %dma_start3A_27 = tpu.memref_slice %arg7[%dma_start3A_18] : memref<4x!tpu.dma_semaphore, #tpu.memory_space<semaphore_mem>> -> memref<1x!tpu.dma_semaphore, #tpu.memory_space<semaphore_mem>>
    %dma_start3A_28 = tpu.memref_squeeze %dma_start3A_27 : memref<1x!tpu.dma_semaphore, #tpu.memory_space<semaphore_mem>> -> memref<!tpu.dma_semaphore, #tpu.memory_space<semaphore_mem>>
    tpu.enqueue_indirect_dma source(%dma_start3A_26 : memref<1000000x64xf32, #tpu.memory_space<hbm>>) target(%dma_start3A_22 : memref<400x64xf32, #tpu.memory_space<vmem>>) offsets(%dma_start3A_23 : memref<400xi32, #tpu.memory_space<vmem>>) semaphore(%dma_start3A_28 : memref<!tpu.dma_semaphore, #tpu.memory_space<semaphore_mem>>)
    %multiple_of3A_29 = arith.constant 800 : i32
    %multiple_of3A_30 = tpu.assume_multiple %multiple_of3A_29, 400 : i32
    %dma_start3A_31 = arith.constant 2 : i32
    %dma_start3A_32 = arith.constant 2 : i32
    %dma_start3A_33 = arith.constant 0 : i32
    %dma_start3A_34 = arith.constant 0 : i32
    %dma_start3A_35 = tpu.memref_slice %arg6[%dma_start3A_31, %dma_start3A_33, %dma_start3A_34] : memref<4x400x64xf32, #tpu.memory_space<vmem>> -> memref<1x400x64xf32, #tpu.memory_space<vmem>>
    %dma_start3A_36 = tpu.memref_squeeze %dma_start3A_35 : memref<1x400x64xf32, #tpu.memory_space<vmem>> -> memref<400x64xf32, #tpu.memory_space<vmem>>
    %dma_start3A_37 = tpu.memref_slice %arg5[%multiple_of3A_30] : memref<25600xi32, #tpu.memory_space<vmem>> -> memref<400xi32, #tpu.memory_space<vmem>>
    %dma_start3A_38 = arith.constant 0 : i32
    %dma_start3A_39 = arith.constant 0 : i32
    %dma_start3A_40 = tpu.memref_slice %arg3[%dma_start3A_38, %dma_start3A_39] : memref<1000000x64xf32, #tpu.memory_space<hbm>> -> memref<1000000x64xf32, #tpu.memory_space<hbm>>
    %dma_start3A_41 = tpu.memref_slice %arg7[%dma_start3A_32] : memref<4x!tpu.dma_semaphore, #tpu.memory_space<semaphore_mem>> -> memref<1x!tpu.dma_semaphore, #tpu.memory_space<semaphore_mem>>
    %dma_start3A_42 = tpu.memref_squeeze %dma_start3A_41 : memref<1x!tpu.dma_semaphore, #tpu.memory_space<semaphore_mem>> -> memref<!tpu.dma_semaphore, #tpu.memory_space<semaphore_mem>>
    tpu.enqueue_indirect_dma source(%dma_start3A_40 : memref<1000000x64xf32, #tpu.memory_space<hbm>>) target(%dma_start3A_36 : memref<400x64xf32, #tpu.memory_space<vmem>>) offsets(%dma_start3A_37 : memref<400xi32, #tpu.memory_space<vmem>>) semaphore(%dma_start3A_42 : memref<!tpu.dma_semaphore, #tpu.memory_space<semaphore_mem>>)
    %multiple_of3A_43 = arith.constant 1200 : i32
    %multiple_of3A_44 = tpu.assume_multiple %multiple_of3A_43, 400 : i32
    %dma_start3A_45 = arith.constant 3 : i32
    %dma_start3A_46 = arith.constant 3 : i32
    %dma_start3A_47 = arith.constant 0 : i32
    %dma_start3A_48 = arith.constant 0 : i32
    %dma_start3A_49 = tpu.memref_slice %arg6[%dma_start3A_45, %dma_start3A_47, %dma_start3A_48] : memref<4x400x64xf32, #tpu.memory_space<vmem>> -> memref<1x400x64xf32, #tpu.memory_space<vmem>>
    %dma_start3A_50 = tpu.memref_squeeze %dma_start3A_49 : memref<1x400x64xf32, #tpu.memory_space<vmem>> -> memref<400x64xf32, #tpu.memory_space<vmem>>
    %dma_start3A_51 = tpu.memref_slice %arg5[%multiple_of3A_44] : memref<25600xi32, #tpu.memory_space<vmem>> -> memref<400xi32, #tpu.memory_space<vmem>>
    %dma_start3A_52 = arith.constant 0 : i32
    %dma_start3A_53 = arith.constant 0 : i32
    %dma_start3A_54 = tpu.memref_slice %arg3[%dma_start3A_52, %dma_start3A_53] : memref<1000000x64xf32, #tpu.memory_space<hbm>> -> memref<1000000x64xf32, #tpu.memory_space<hbm>>
    %dma_start3A_55 = tpu.memref_slice %arg7[%dma_start3A_46] : memref<4x!tpu.dma_semaphore, #tpu.memory_space<semaphore_mem>> -> memref<1x!tpu.dma_semaphore, #tpu.memory_space<semaphore_mem>>
    %dma_start3A_56 = tpu.memref_squeeze %dma_start3A_55 : memref<1x!tpu.dma_semaphore, #tpu.memory_space<semaphore_mem>> -> memref<!tpu.dma_semaphore, #tpu.memory_space<semaphore_mem>>
    tpu.enqueue_indirect_dma source(%dma_start3A_54 : memref<1000000x64xf32, #tpu.memory_space<hbm>>) target(%dma_start3A_50 : memref<400x64xf32, #tpu.memory_space<vmem>>) offsets(%dma_start3A_51 : memref<400xi32, #tpu.memory_space<vmem>>) semaphore(%dma_start3A_56 : memref<!tpu.dma_semaphore, #tpu.memory_space<semaphore_mem>>)
    %scan3A = arith.constant 0 : i32
    %scan3A_57 = arith.constant 0 : i32
    %scan3A_58 = arith.constant 15 : i32
    %scan3A_59 = arith.addi %scan3A_57, %scan3A_58 : i32
    %scan3A_60 = arith.constant 1 : i32
    scf.for %scan3A_269 = %scan3A_57 to %scan3A_59 step %scan3A_60  : i32 {
      %mul3A_270 = arith.constant 4 : i32
      %mul3A_271 = arith.muli %scan3A_269, %mul3A_270 : i32
      %add3A_272 = arith.constant 0 : i32
      %add3A_273 = arith.addi %mul3A_271, %add3A_272 : i32
      %mul3A_274 = arith.constant 400 : i32
      %mul3A_275 = arith.muli %add3A_273, %mul3A_274 : i32
      %multiple_of3A_276 = tpu.assume_multiple %mul3A_275, 400 : i32
      %dma_wait3A_277 = arith.constant 0 : i32
      %dma_wait3A_278 = arith.constant 0 : i32
      %dma_wait3A_279 = arith.constant 0 : i32
      %dma_wait3A_280 = arith.constant 0 : i32
      %dma_wait3A_281 = tpu.memref_slice %arg6[%dma_wait3A_277, %dma_wait3A_279, %dma_wait3A_280] : memref<4x400x64xf32, #tpu.memory_space<vmem>> -> memref<1x400x64xf32, #tpu.memory_space<vmem>>
      %dma_wait3A_282 = tpu.memref_squeeze %dma_wait3A_281 : memref<1x400x64xf32, #tpu.memory_space<vmem>> -> memref<400x64xf32, #tpu.memory_space<vmem>>
      %dma_wait3A_283 = tpu.memref_slice %arg5[%multiple_of3A_276] : memref<25600xi32, #tpu.memory_space<vmem>> -> memref<400xi32, #tpu.memory_space<vmem>>
      %dma_wait3A_284 = arith.constant 0 : i32
      %dma_wait3A_285 = arith.constant 0 : i32
      %dma_wait3A_286 = tpu.memref_slice %arg3[%dma_wait3A_284, %dma_wait3A_285] : memref<1000000x64xf32, #tpu.memory_space<hbm>> -> memref<1000000x64xf32, #tpu.memory_space<hbm>>
      %dma_wait3A_287 = tpu.memref_slice %arg7[%dma_wait3A_278] : memref<4x!tpu.dma_semaphore, #tpu.memory_space<semaphore_mem>> -> memref<1x!tpu.dma_semaphore, #tpu.memory_space<semaphore_mem>>
      %dma_wait3A_288 = tpu.memref_squeeze %dma_wait3A_287 : memref<1x!tpu.dma_semaphore, #tpu.memory_space<semaphore_mem>> -> memref<!tpu.dma_semaphore, #tpu.memory_space<semaphore_mem>>
      tpu.wait_indirect_dma semaphore(%dma_wait3A_288 : memref<!tpu.dma_semaphore, #tpu.memory_space<semaphore_mem>>) src(%dma_wait3A_286 : memref<1000000x64xf32, #tpu.memory_space<hbm>>) dst(%dma_wait3A_282 : memref<400x64xf32, #tpu.memory_space<vmem>>)
      %mul3A_289 = arith.constant 400 : i32
      %mul3A_290 = arith.muli %add3A_273, %mul3A_289 : i32
      %multiple_of3A_291 = tpu.assume_multiple %mul3A_290, 400 : i32
      %add3A_292 = arith.addi %mul3A_2, %multiple_of3A_291 : i32
      %dma_start3A_293 = arith.constant 0 : i32
      %dma_start3A_294 = arith.constant 0 : i32
      %dma_start3A_295 = arith.constant 0 : i32
      %dma_start3A_296 = arith.constant 0 : i32
      %dma_start3A_297 = tpu.memref_slice %arg6[%dma_start3A_293, %dma_start3A_295, %dma_start3A_296] : memref<4x400x64xf32, #tpu.memory_space<vmem>> -> memref<1x400x64xf32, #tpu.memory_space<vmem>>
      %dma_start3A_298 = tpu.memref_squeeze %dma_start3A_297 : memref<1x400x64xf32, #tpu.memory_space<vmem>> -> memref<400x64xf32, #tpu.memory_space<vmem>>
      %dma_start3A_299 = arith.constant 0 : i32
      %dma_start3A_300 = tpu.memref_slice %arg4[%add3A_292, %dma_start3A_299] : memref<819200x128xf32, #tpu.memory_space<hbm>> -> memref<400x64xf32, #tpu.memory_space<hbm>>
      %dma_start3A_301 = tpu.memref_slice %arg8[%dma_start3A_294] : memref<4x!tpu.dma_semaphore, #tpu.memory_space<semaphore_mem>> -> memref<1x!tpu.dma_semaphore, #tpu.memory_space<semaphore_mem>>
      %dma_start3A_302 = tpu.memref_squeeze %dma_start3A_301 : memref<1x!tpu.dma_semaphore, #tpu.memory_space<semaphore_mem>> -> memref<!tpu.dma_semaphore, #tpu.memory_space<semaphore_mem>>
      %dma_start3A_303 = arith.constant 0 : i32
      %dma_start3A_304 = tpu.memref_slice %arg4[%add3A_292, %dma_start3A_303] : memref<819200x128xf32, #tpu.memory_space<hbm>> -> memref<400x64xf32, #tpu.memory_space<hbm>>
      %dma_start3A_305 = arith.constant 0 : i32
      %dma_start3A_306 = arith.constant 0 : i32
      %dma_start3A_307 = tpu.memref_slice %arg6[%dma_start3A_293, %dma_start3A_305, %dma_start3A_306] : memref<4x400x64xf32, #tpu.memory_space<vmem>> -> memref<1x400x64xf32, #tpu.memory_space<vmem>>
      %dma_start3A_308 = tpu.memref_squeeze %dma_start3A_307 : memref<1x400x64xf32, #tpu.memory_space<vmem>> -> memref<400x64xf32, #tpu.memory_space<vmem>>
      tpu.enqueue_dma source(%dma_start3A_308 : memref<400x64xf32, #tpu.memory_space<vmem>>) target(%dma_start3A_304 : memref<400x64xf32, #tpu.memory_space<hbm>>) target_semaphore(%dma_start3A_302 : memref<!tpu.dma_semaphore, #tpu.memory_space<semaphore_mem>>)
      %mul3A_309 = arith.constant 400 : i32
      %mul3A_310 = arith.muli %add3A_273, %mul3A_309 : i32
      %multiple_of3A_311 = tpu.assume_multiple %mul3A_310, 400 : i32
      %add3A_312 = arith.addi %mul3A_2, %multiple_of3A_311 : i32
      %dma_wait3A_313 = arith.constant 0 : i32
      %dma_wait3A_314 = arith.constant 0 : i32
      %dma_wait3A_315 = arith.constant 0 : i32
      %dma_wait3A_316 = arith.constant 0 : i32
      %dma_wait3A_317 = tpu.memref_slice %arg6[%dma_wait3A_313, %dma_wait3A_315, %dma_wait3A_316] : memref<4x400x64xf32, #tpu.memory_space<vmem>> -> memref<1x400x64xf32, #tpu.memory_space<vmem>>
      %dma_wait3A_318 = tpu.memref_squeeze %dma_wait3A_317 : memref<1x400x64xf32, #tpu.memory_space<vmem>> -> memref<400x64xf32, #tpu.memory_space<vmem>>
      %dma_wait3A_319 = arith.constant 0 : i32
      %dma_wait3A_320 = tpu.memref_slice %arg4[%add3A_312, %dma_wait3A_319] : memref<819200x128xf32, #tpu.memory_space<hbm>> -> memref<400x64xf32, #tpu.memory_space<hbm>>
      %dma_wait3A_321 = tpu.memref_slice %arg8[%dma_wait3A_314] : memref<4x!tpu.dma_semaphore, #tpu.memory_space<semaphore_mem>> -> memref<1x!tpu.dma_semaphore, #tpu.memory_space<semaphore_mem>>
      %dma_wait3A_322 = tpu.memref_squeeze %dma_wait3A_321 : memref<1x!tpu.dma_semaphore, #tpu.memory_space<semaphore_mem>> -> memref<!tpu.dma_semaphore, #tpu.memory_space<semaphore_mem>>
      %dma_wait3A_323 = arith.constant 0 : i32
      %dma_wait3A_324 = tpu.memref_slice %arg4[%add3A_312, %dma_wait3A_323] : memref<819200x128xf32, #tpu.memory_space<hbm>> -> memref<400x64xf32, #tpu.memory_space<hbm>>
      %dma_wait3A_325 = arith.constant 0 : i32
      %dma_wait3A_326 = arith.constant 0 : i32
      %dma_wait3A_327 = tpu.memref_slice %arg6[%dma_wait3A_313, %dma_wait3A_325, %dma_wait3A_326] : memref<4x400x64xf32, #tpu.memory_space<vmem>> -> memref<1x400x64xf32, #tpu.memory_space<vmem>>
      %dma_wait3A_328 = tpu.memref_squeeze %dma_wait3A_327 : memref<1x400x64xf32, #tpu.memory_space<vmem>> -> memref<400x64xf32, #tpu.memory_space<vmem>>
      tpu.wait_dma2 semaphore(%dma_wait3A_322 : memref<!tpu.dma_semaphore, #tpu.memory_space<semaphore_mem>>) src(%dma_wait3A_328 : memref<400x64xf32, #tpu.memory_space<vmem>>) dst(%dma_wait3A_324 : memref<400x64xf32, #tpu.memory_space<hbm>>)
      %add3A_329 = arith.constant 4 : i32
      %add3A_330 = arith.addi %add3A_273, %add3A_329 : i32
      %mul3A_331 = arith.constant 400 : i32
      %mul3A_332 = arith.muli %add3A_330, %mul3A_331 : i32
      %multiple_of3A_333 = tpu.assume_multiple %mul3A_332, 400 : i32
      %dma_start3A_334 = arith.constant 0 : i32
      %dma_start3A_335 = arith.constant 0 : i32
      %dma_start3A_336 = arith.constant 0 : i32
      %dma_start3A_337 = arith.constant 0 : i32
      %dma_start3A_338 = tpu.memref_slice %arg6[%dma_start3A_334, %dma_start3A_336, %dma_start3A_337] : memref<4x400x64xf32, #tpu.memory_space<vmem>> -> memref<1x400x64xf32, #tpu.memory_space<vmem>>
      %dma_start3A_339 = tpu.memref_squeeze %dma_start3A_338 : memref<1x400x64xf32, #tpu.memory_space<vmem>> -> memref<400x64xf32, #tpu.memory_space<vmem>>
      %dma_start3A_340 = tpu.memref_slice %arg5[%multiple_of3A_333] : memref<25600xi32, #tpu.memory_space<vmem>> -> memref<400xi32, #tpu.memory_space<vmem>>
      %dma_start3A_341 = arith.constant 0 : i32
      %dma_start3A_342 = arith.constant 0 : i32
      %dma_start3A_343 = tpu.memref_slice %arg3[%dma_start3A_341, %dma_start3A_342] : memref<1000000x64xf32, #tpu.memory_space<hbm>> -> memref<1000000x64xf32, #tpu.memory_space<hbm>>
      %dma_start3A_344 = tpu.memref_slice %arg7[%dma_start3A_335] : memref<4x!tpu.dma_semaphore, #tpu.memory_space<semaphore_mem>> -> memref<1x!tpu.dma_semaphore, #tpu.memory_space<semaphore_mem>>
      %dma_start3A_345 = tpu.memref_squeeze %dma_start3A_344 : memref<1x!tpu.dma_semaphore, #tpu.memory_space<semaphore_mem>> -> memref<!tpu.dma_semaphore, #tpu.memory_space<semaphore_mem>>
      tpu.enqueue_indirect_dma source(%dma_start3A_343 : memref<1000000x64xf32, #tpu.memory_space<hbm>>) target(%dma_start3A_339 : memref<400x64xf32, #tpu.memory_space<vmem>>) offsets(%dma_start3A_340 : memref<400xi32, #tpu.memory_space<vmem>>) semaphore(%dma_start3A_345 : memref<!tpu.dma_semaphore, #tpu.memory_space<semaphore_mem>>)
      %mul3A_346 = arith.constant 4 : i32
      %mul3A_347 = arith.muli %scan3A_269, %mul3A_346 : i32
      %add3A_348 = arith.constant 1 : i32
      %add3A_349 = arith.addi %mul3A_347, %add3A_348 : i32
      %mul3A_350 = arith.constant 400 : i32
      %mul3A_351 = arith.muli %add3A_349, %mul3A_350 : i32
      %multiple_of3A_352 = tpu.assume_multiple %mul3A_351, 400 : i32
      %dma_wait3A_353 = arith.constant 1 : i32
      %dma_wait3A_354 = arith.constant 1 : i32
      %dma_wait3A_355 = arith.constant 0 : i32
      %dma_wait3A_356 = arith.constant 0 : i32
      %dma_wait3A_357 = tpu.memref_slice %arg6[%dma_wait3A_353, %dma_wait3A_355, %dma_wait3A_356] : memref<4x400x64xf32, #tpu.memory_space<vmem>> -> memref<1x400x64xf32, #tpu.memory_space<vmem>>
      %dma_wait3A_358 = tpu.memref_squeeze %dma_wait3A_357 : memref<1x400x64xf32, #tpu.memory_space<vmem>> -> memref<400x64xf32, #tpu.memory_space<vmem>>
      %dma_wait3A_359 = tpu.memref_slice %arg5[%multiple_of3A_352] : memref<25600xi32, #tpu.memory_space<vmem>> -> memref<400xi32, #tpu.memory_space<vmem>>
      %dma_wait3A_360 = arith.constant 0 : i32
      %dma_wait3A_361 = arith.constant 0 : i32
      %dma_wait3A_362 = tpu.memref_slice %arg3[%dma_wait3A_360, %dma_wait3A_361] : memref<1000000x64xf32, #tpu.memory_space<hbm>> -> memref<1000000x64xf32, #tpu.memory_space<hbm>>
      %dma_wait3A_363 = tpu.memref_slice %arg7[%dma_wait3A_354] : memref<4x!tpu.dma_semaphore, #tpu.memory_space<semaphore_mem>> -> memref<1x!tpu.dma_semaphore, #tpu.memory_space<semaphore_mem>>
      %dma_wait3A_364 = tpu.memref_squeeze %dma_wait3A_363 : memref<1x!tpu.dma_semaphore, #tpu.memory_space<semaphore_mem>> -> memref<!tpu.dma_semaphore, #tpu.memory_space<semaphore_mem>>
      tpu.wait_indirect_dma semaphore(%dma_wait3A_364 : memref<!tpu.dma_semaphore, #tpu.memory_space<semaphore_mem>>) src(%dma_wait3A_362 : memref<1000000x64xf32, #tpu.memory_space<hbm>>) dst(%dma_wait3A_358 : memref<400x64xf32, #tpu.memory_space<vmem>>)
      %mul3A_365 = arith.constant 400 : i32
      %mul3A_366 = arith.muli %add3A_349, %mul3A_365 : i32
      %multiple_of3A_367 = tpu.assume_multiple %mul3A_366, 400 : i32
      %add3A_368 = arith.addi %mul3A_2, %multiple_of3A_367 : i32
      %dma_start3A_369 = arith.constant 1 : i32
      %dma_start3A_370 = arith.constant 1 : i32
      %dma_start3A_371 = arith.constant 0 : i32
      %dma_start3A_372 = arith.constant 0 : i32
      %dma_start3A_373 = tpu.memref_slice %arg6[%dma_start3A_369, %dma_start3A_371, %dma_start3A_372] : memref<4x400x64xf32, #tpu.memory_space<vmem>> -> memref<1x400x64xf32, #tpu.memory_space<vmem>>
      %dma_start3A_374 = tpu.memref_squeeze %dma_start3A_373 : memref<1x400x64xf32, #tpu.memory_space<vmem>> -> memref<400x64xf32, #tpu.memory_space<vmem>>
      %dma_start3A_375 = arith.constant 0 : i32
      %dma_start3A_376 = tpu.memref_slice %arg4[%add3A_368, %dma_start3A_375] : memref<819200x128xf32, #tpu.memory_space<hbm>> -> memref<400x64xf32, #tpu.memory_space<hbm>>
      %dma_start3A_377 = tpu.memref_slice %arg8[%dma_start3A_370] : memref<4x!tpu.dma_semaphore, #tpu.memory_space<semaphore_mem>> -> memref<1x!tpu.dma_semaphore, #tpu.memory_space<semaphore_mem>>
      %dma_start3A_378 = tpu.memref_squeeze %dma_start3A_377 : memref<1x!tpu.dma_semaphore, #tpu.memory_space<semaphore_mem>> -> memref<!tpu.dma_semaphore, #tpu.memory_space<semaphore_mem>>
      %dma_start3A_379 = arith.constant 0 : i32
      %dma_start3A_380 = tpu.memref_slice %arg4[%add3A_368, %dma_start3A_379] : memref<819200x128xf32, #tpu.memory_space<hbm>> -> memref<400x64xf32, #tpu.memory_space<hbm>>
      %dma_start3A_381 = arith.constant 0 : i32
      %dma_start3A_382 = arith.constant 0 : i32
      %dma_start3A_383 = tpu.memref_slice %arg6[%dma_start3A_369, %dma_start3A_381, %dma_start3A_382] : memref<4x400x64xf32, #tpu.memory_space<vmem>> -> memref<1x400x64xf32, #tpu.memory_space<vmem>>
      %dma_start3A_384 = tpu.memref_squeeze %dma_start3A_383 : memref<1x400x64xf32, #tpu.memory_space<vmem>> -> memref<400x64xf32, #tpu.memory_space<vmem>>
      tpu.enqueue_dma source(%dma_start3A_384 : memref<400x64xf32, #tpu.memory_space<vmem>>) target(%dma_start3A_380 : memref<400x64xf32, #tpu.memory_space<hbm>>) target_semaphore(%dma_start3A_378 : memref<!tpu.dma_semaphore, #tpu.memory_space<semaphore_mem>>)
      %mul3A_385 = arith.constant 400 : i32
      %mul3A_386 = arith.muli %add3A_349, %mul3A_385 : i32
      %multiple_of3A_387 = tpu.assume_multiple %mul3A_386, 400 : i32
      %add3A_388 = arith.addi %mul3A_2, %multiple_of3A_387 : i32
      %dma_wait3A_389 = arith.constant 1 : i32
      %dma_wait3A_390 = arith.constant 1 : i32
      %dma_wait3A_391 = arith.constant 0 : i32
      %dma_wait3A_392 = arith.constant 0 : i32
      %dma_wait3A_393 = tpu.memref_slice %arg6[%dma_wait3A_389, %dma_wait3A_391, %dma_wait3A_392] : memref<4x400x64xf32, #tpu.memory_space<vmem>> -> memref<1x400x64xf32, #tpu.memory_space<vmem>>
      %dma_wait3A_394 = tpu.memref_squeeze %dma_wait3A_393 : memref<1x400x64xf32, #tpu.memory_space<vmem>> -> memref<400x64xf32, #tpu.memory_space<vmem>>
      %dma_wait3A_395 = arith.constant 0 : i32
      %dma_wait3A_396 = tpu.memref_slice %arg4[%add3A_388, %dma_wait3A_395] : memref<819200x128xf32, #tpu.memory_space<hbm>> -> memref<400x64xf32, #tpu.memory_space<hbm>>
      %dma_wait3A_397 = tpu.memref_slice %arg8[%dma_wait3A_390] : memref<4x!tpu.dma_semaphore, #tpu.memory_space<semaphore_mem>> -> memref<1x!tpu.dma_semaphore, #tpu.memory_space<semaphore_mem>>
      %dma_wait3A_398 = tpu.memref_squeeze %dma_wait3A_397 : memref<1x!tpu.dma_semaphore, #tpu.memory_space<semaphore_mem>> -> memref<!tpu.dma_semaphore, #tpu.memory_space<semaphore_mem>>
      %dma_wait3A_399 = arith.constant 0 : i32
      %dma_wait3A_400 = tpu.memref_slice %arg4[%add3A_388, %dma_wait3A_399] : memref<819200x128xf32, #tpu.memory_space<hbm>> -> memref<400x64xf32, #tpu.memory_space<hbm>>
      %dma_wait3A_401 = arith.constant 0 : i32
      %dma_wait3A_402 = arith.constant 0 : i32
      %dma_wait3A_403 = tpu.memref_slice %arg6[%dma_wait3A_389, %dma_wait3A_401, %dma_wait3A_402] : memref<4x400x64xf32, #tpu.memory_space<vmem>> -> memref<1x400x64xf32, #tpu.memory_space<vmem>>
      %dma_wait3A_404 = tpu.memref_squeeze %dma_wait3A_403 : memref<1x400x64xf32, #tpu.memory_space<vmem>> -> memref<400x64xf32, #tpu.memory_space<vmem>>
      tpu.wait_dma2 semaphore(%dma_wait3A_398 : memref<!tpu.dma_semaphore, #tpu.memory_space<semaphore_mem>>) src(%dma_wait3A_404 : memref<400x64xf32, #tpu.memory_space<vmem>>) dst(%dma_wait3A_400 : memref<400x64xf32, #tpu.memory_space<hbm>>)
      %add3A_405 = arith.constant 4 : i32
      %add3A_406 = arith.addi %add3A_349, %add3A_405 : i32
      %mul3A_407 = arith.constant 400 : i32
      %mul3A_408 = arith.muli %add3A_406, %mul3A_407 : i32
      %multiple_of3A_409 = tpu.assume_multiple %mul3A_408, 400 : i32
      %dma_start3A_410 = arith.constant 1 : i32
      %dma_start3A_411 = arith.constant 1 : i32
      %dma_start3A_412 = arith.constant 0 : i32
      %dma_start3A_413 = arith.constant 0 : i32
      %dma_start3A_414 = tpu.memref_slice %arg6[%dma_start3A_410, %dma_start3A_412, %dma_start3A_413] : memref<4x400x64xf32, #tpu.memory_space<vmem>> -> memref<1x400x64xf32, #tpu.memory_space<vmem>>
      %dma_start3A_415 = tpu.memref_squeeze %dma_start3A_414 : memref<1x400x64xf32, #tpu.memory_space<vmem>> -> memref<400x64xf32, #tpu.memory_space<vmem>>
      %dma_start3A_416 = tpu.memref_slice %arg5[%multiple_of3A_409] : memref<25600xi32, #tpu.memory_space<vmem>> -> memref<400xi32, #tpu.memory_space<vmem>>
      %dma_start3A_417 = arith.constant 0 : i32
      %dma_start3A_418 = arith.constant 0 : i32
      %dma_start3A_419 = tpu.memref_slice %arg3[%dma_start3A_417, %dma_start3A_418] : memref<1000000x64xf32, #tpu.memory_space<hbm>> -> memref<1000000x64xf32, #tpu.memory_space<hbm>>
      %dma_start3A_420 = tpu.memref_slice %arg7[%dma_start3A_411] : memref<4x!tpu.dma_semaphore, #tpu.memory_space<semaphore_mem>> -> memref<1x!tpu.dma_semaphore, #tpu.memory_space<semaphore_mem>>
      %dma_start3A_421 = tpu.memref_squeeze %dma_start3A_420 : memref<1x!tpu.dma_semaphore, #tpu.memory_space<semaphore_mem>> -> memref<!tpu.dma_semaphore, #tpu.memory_space<semaphore_mem>>
      tpu.enqueue_indirect_dma source(%dma_start3A_419 : memref<1000000x64xf32, #tpu.memory_space<hbm>>) target(%dma_start3A_415 : memref<400x64xf32, #tpu.memory_space<vmem>>) offsets(%dma_start3A_416 : memref<400xi32, #tpu.memory_space<vmem>>) semaphore(%dma_start3A_421 : memref<!tpu.dma_semaphore, #tpu.memory_space<semaphore_mem>>)
      %mul3A_422 = arith.constant 4 : i32
      %mul3A_423 = arith.muli %scan3A_269, %mul3A_422 : i32
      %add3A_424 = arith.constant 2 : i32
      %add3A_425 = arith.addi %mul3A_423, %add3A_424 : i32
      %mul3A_426 = arith.constant 400 : i32
      %mul3A_427 = arith.muli %add3A_425, %mul3A_426 : i32
      %multiple_of3A_428 = tpu.assume_multiple %mul3A_427, 400 : i32
      %dma_wait3A_429 = arith.constant 2 : i32
      %dma_wait3A_430 = arith.constant 2 : i32
      %dma_wait3A_431 = arith.constant 0 : i32
      %dma_wait3A_432 = arith.constant 0 : i32
      %dma_wait3A_433 = tpu.memref_slice %arg6[%dma_wait3A_429, %dma_wait3A_431, %dma_wait3A_432] : memref<4x400x64xf32, #tpu.memory_space<vmem>> -> memref<1x400x64xf32, #tpu.memory_space<vmem>>
      %dma_wait3A_434 = tpu.memref_squeeze %dma_wait3A_433 : memref<1x400x64xf32, #tpu.memory_space<vmem>> -> memref<400x64xf32, #tpu.memory_space<vmem>>
      %dma_wait3A_435 = tpu.memref_slice %arg5[%multiple_of3A_428] : memref<25600xi32, #tpu.memory_space<vmem>> -> memref<400xi32, #tpu.memory_space<vmem>>
      %dma_wait3A_436 = arith.constant 0 : i32
      %dma_wait3A_437 = arith.constant 0 : i32
      %dma_wait3A_438 = tpu.memref_slice %arg3[%dma_wait3A_436, %dma_wait3A_437] : memref<1000000x64xf32, #tpu.memory_space<hbm>> -> memref<1000000x64xf32, #tpu.memory_space<hbm>>
      %dma_wait3A_439 = tpu.memref_slice %arg7[%dma_wait3A_430] : memref<4x!tpu.dma_semaphore, #tpu.memory_space<semaphore_mem>> -> memref<1x!tpu.dma_semaphore, #tpu.memory_space<semaphore_mem>>
      %dma_wait3A_440 = tpu.memref_squeeze %dma_wait3A_439 : memref<1x!tpu.dma_semaphore, #tpu.memory_space<semaphore_mem>> -> memref<!tpu.dma_semaphore, #tpu.memory_space<semaphore_mem>>
      tpu.wait_indirect_dma semaphore(%dma_wait3A_440 : memref<!tpu.dma_semaphore, #tpu.memory_space<semaphore_mem>>) src(%dma_wait3A_438 : memref<1000000x64xf32, #tpu.memory_space<hbm>>) dst(%dma_wait3A_434 : memref<400x64xf32, #tpu.memory_space<vmem>>)
      %mul3A_441 = arith.constant 400 : i32
      %mul3A_442 = arith.muli %add3A_425, %mul3A_441 : i32
      %multiple_of3A_443 = tpu.assume_multiple %mul3A_442, 400 : i32
      %add3A_444 = arith.addi %mul3A_2, %multiple_of3A_443 : i32
      %dma_start3A_445 = arith.constant 2 : i32
      %dma_start3A_446 = arith.constant 2 : i32
      %dma_start3A_447 = arith.constant 0 : i32
      %dma_start3A_448 = arith.constant 0 : i32
      %dma_start3A_449 = tpu.memref_slice %arg6[%dma_start3A_445, %dma_start3A_447, %dma_start3A_448] : memref<4x400x64xf32, #tpu.memory_space<vmem>> -> memref<1x400x64xf32, #tpu.memory_space<vmem>>
      %dma_start3A_450 = tpu.memref_squeeze %dma_start3A_449 : memref<1x400x64xf32, #tpu.memory_space<vmem>> -> memref<400x64xf32, #tpu.memory_space<vmem>>
      %dma_start3A_451 = arith.constant 0 : i32
      %dma_start3A_452 = tpu.memref_slice %arg4[%add3A_444, %dma_start3A_451] : memref<819200x128xf32, #tpu.memory_space<hbm>> -> memref<400x64xf32, #tpu.memory_space<hbm>>
      %dma_start3A_453 = tpu.memref_slice %arg8[%dma_start3A_446] : memref<4x!tpu.dma_semaphore, #tpu.memory_space<semaphore_mem>> -> memref<1x!tpu.dma_semaphore, #tpu.memory_space<semaphore_mem>>
      %dma_start3A_454 = tpu.memref_squeeze %dma_start3A_453 : memref<1x!tpu.dma_semaphore, #tpu.memory_space<semaphore_mem>> -> memref<!tpu.dma_semaphore, #tpu.memory_space<semaphore_mem>>
      %dma_start3A_455 = arith.constant 0 : i32
      %dma_start3A_456 = tpu.memref_slice %arg4[%add3A_444, %dma_start3A_455] : memref<819200x128xf32, #tpu.memory_space<hbm>> -> memref<400x64xf32, #tpu.memory_space<hbm>>
      %dma_start3A_457 = arith.constant 0 : i32
      %dma_start3A_458 = arith.constant 0 : i32
      %dma_start3A_459 = tpu.memref_slice %arg6[%dma_start3A_445, %dma_start3A_457, %dma_start3A_458] : memref<4x400x64xf32, #tpu.memory_space<vmem>> -> memref<1x400x64xf32, #tpu.memory_space<vmem>>
      %dma_start3A_460 = tpu.memref_squeeze %dma_start3A_459 : memref<1x400x64xf32, #tpu.memory_space<vmem>> -> memref<400x64xf32, #tpu.memory_space<vmem>>
      tpu.enqueue_dma source(%dma_start3A_460 : memref<400x64xf32, #tpu.memory_space<vmem>>) target(%dma_start3A_456 : memref<400x64xf32, #tpu.memory_space<hbm>>) target_semaphore(%dma_start3A_454 : memref<!tpu.dma_semaphore, #tpu.memory_space<semaphore_mem>>)
      %mul3A_461 = arith.constant 400 : i32
      %mul3A_462 = arith.muli %add3A_425, %mul3A_461 : i32
      %multiple_of3A_463 = tpu.assume_multiple %mul3A_462, 400 : i32
      %add3A_464 = arith.addi %mul3A_2, %multiple_of3A_463 : i32
      %dma_wait3A_465 = arith.constant 2 : i32
      %dma_wait3A_466 = arith.constant 2 : i32
      %dma_wait3A_467 = arith.constant 0 : i32
      %dma_wait3A_468 = arith.constant 0 : i32
      %dma_wait3A_469 = tpu.memref_slice %arg6[%dma_wait3A_465, %dma_wait3A_467, %dma_wait3A_468] : memref<4x400x64xf32, #tpu.memory_space<vmem>> -> memref<1x400x64xf32, #tpu.memory_space<vmem>>
      %dma_wait3A_470 = tpu.memref_squeeze %dma_wait3A_469 : memref<1x400x64xf32, #tpu.memory_space<vmem>> -> memref<400x64xf32, #tpu.memory_space<vmem>>
      %dma_wait3A_471 = arith.constant 0 : i32
      %dma_wait3A_472 = tpu.memref_slice %arg4[%add3A_464, %dma_wait3A_471] : memref<819200x128xf32, #tpu.memory_space<hbm>> -> memref<400x64xf32, #tpu.memory_space<hbm>>
      %dma_wait3A_473 = tpu.memref_slice %arg8[%dma_wait3A_466] : memref<4x!tpu.dma_semaphore, #tpu.memory_space<semaphore_mem>> -> memref<1x!tpu.dma_semaphore, #tpu.memory_space<semaphore_mem>>
      %dma_wait3A_474 = tpu.memref_squeeze %dma_wait3A_473 : memref<1x!tpu.dma_semaphore, #tpu.memory_space<semaphore_mem>> -> memref<!tpu.dma_semaphore, #tpu.memory_space<semaphore_mem>>
      %dma_wait3A_475 = arith.constant 0 : i32
      %dma_wait3A_476 = tpu.memref_slice %arg4[%add3A_464, %dma_wait3A_475] : memref<819200x128xf32, #tpu.memory_space<hbm>> -> memref<400x64xf32, #tpu.memory_space<hbm>>
      %dma_wait3A_477 = arith.constant 0 : i32
      %dma_wait3A_478 = arith.constant 0 : i32
      %dma_wait3A_479 = tpu.memref_slice %arg6[%dma_wait3A_465, %dma_wait3A_477, %dma_wait3A_478] : memref<4x400x64xf32, #tpu.memory_space<vmem>> -> memref<1x400x64xf32, #tpu.memory_space<vmem>>
      %dma_wait3A_480 = tpu.memref_squeeze %dma_wait3A_479 : memref<1x400x64xf32, #tpu.memory_space<vmem>> -> memref<400x64xf32, #tpu.memory_space<vmem>>
      tpu.wait_dma2 semaphore(%dma_wait3A_474 : memref<!tpu.dma_semaphore, #tpu.memory_space<semaphore_mem>>) src(%dma_wait3A_480 : memref<400x64xf32, #tpu.memory_space<vmem>>) dst(%dma_wait3A_476 : memref<400x64xf32, #tpu.memory_space<hbm>>)
      %add3A_481 = arith.constant 4 : i32
      %add3A_482 = arith.addi %add3A_425, %add3A_481 : i32
      %mul3A_483 = arith.constant 400 : i32
      %mul3A_484 = arith.muli %add3A_482, %mul3A_483 : i32
      %multiple_of3A_485 = tpu.assume_multiple %mul3A_484, 400 : i32
      %dma_start3A_486 = arith.constant 2 : i32
      %dma_start3A_487 = arith.constant 2 : i32
      %dma_start3A_488 = arith.constant 0 : i32
      %dma_start3A_489 = arith.constant 0 : i32
      %dma_start3A_490 = tpu.memref_slice %arg6[%dma_start3A_486, %dma_start3A_488, %dma_start3A_489] : memref<4x400x64xf32, #tpu.memory_space<vmem>> -> memref<1x400x64xf32, #tpu.memory_space<vmem>>
      %dma_start3A_491 = tpu.memref_squeeze %dma_start3A_490 : memref<1x400x64xf32, #tpu.memory_space<vmem>> -> memref<400x64xf32, #tpu.memory_space<vmem>>
      %dma_start3A_492 = tpu.memref_slice %arg5[%multiple_of3A_485] : memref<25600xi32, #tpu.memory_space<vmem>> -> memref<400xi32, #tpu.memory_space<vmem>>
      %dma_start3A_493 = arith.constant 0 : i32
      %dma_start3A_494 = arith.constant 0 : i32
      %dma_start3A_495 = tpu.memref_slice %arg3[%dma_start3A_493, %dma_start3A_494] : memref<1000000x64xf32, #tpu.memory_space<hbm>> -> memref<1000000x64xf32, #tpu.memory_space<hbm>>
      %dma_start3A_496 = tpu.memref_slice %arg7[%dma_start3A_487] : memref<4x!tpu.dma_semaphore, #tpu.memory_space<semaphore_mem>> -> memref<1x!tpu.dma_semaphore, #tpu.memory_space<semaphore_mem>>
      %dma_start3A_497 = tpu.memref_squeeze %dma_start3A_496 : memref<1x!tpu.dma_semaphore, #tpu.memory_space<semaphore_mem>> -> memref<!tpu.dma_semaphore, #tpu.memory_space<semaphore_mem>>
      tpu.enqueue_indirect_dma source(%dma_start3A_495 : memref<1000000x64xf32, #tpu.memory_space<hbm>>) target(%dma_start3A_491 : memref<400x64xf32, #tpu.memory_space<vmem>>) offsets(%dma_start3A_492 : memref<400xi32, #tpu.memory_space<vmem>>) semaphore(%dma_start3A_497 : memref<!tpu.dma_semaphore, #tpu.memory_space<semaphore_mem>>)
      %mul3A_498 = arith.constant 4 : i32
      %mul3A_499 = arith.muli %scan3A_269, %mul3A_498 : i32
      %add3A_500 = arith.constant 3 : i32
      %add3A_501 = arith.addi %mul3A_499, %add3A_500 : i32
      %mul3A_502 = arith.constant 400 : i32
      %mul3A_503 = arith.muli %add3A_501, %mul3A_502 : i32
      %multiple_of3A_504 = tpu.assume_multiple %mul3A_503, 400 : i32
      %dma_wait3A_505 = arith.constant 3 : i32
      %dma_wait3A_506 = arith.constant 3 : i32
      %dma_wait3A_507 = arith.constant 0 : i32
      %dma_wait3A_508 = arith.constant 0 : i32
      %dma_wait3A_509 = tpu.memref_slice %arg6[%dma_wait3A_505, %dma_wait3A_507, %dma_wait3A_508] : memref<4x400x64xf32, #tpu.memory_space<vmem>> -> memref<1x400x64xf32, #tpu.memory_space<vmem>>
      %dma_wait3A_510 = tpu.memref_squeeze %dma_wait3A_509 : memref<1x400x64xf32, #tpu.memory_space<vmem>> -> memref<400x64xf32, #tpu.memory_space<vmem>>
      %dma_wait3A_511 = tpu.memref_slice %arg5[%multiple_of3A_504] : memref<25600xi32, #tpu.memory_space<vmem>> -> memref<400xi32, #tpu.memory_space<vmem>>
      %dma_wait3A_512 = arith.constant 0 : i32
      %dma_wait3A_513 = arith.constant 0 : i32
      %dma_wait3A_514 = tpu.memref_slice %arg3[%dma_wait3A_512, %dma_wait3A_513] : memref<1000000x64xf32, #tpu.memory_space<hbm>> -> memref<1000000x64xf32, #tpu.memory_space<hbm>>
      %dma_wait3A_515 = tpu.memref_slice %arg7[%dma_wait3A_506] : memref<4x!tpu.dma_semaphore, #tpu.memory_space<semaphore_mem>> -> memref<1x!tpu.dma_semaphore, #tpu.memory_space<semaphore_mem>>
      %dma_wait3A_516 = tpu.memref_squeeze %dma_wait3A_515 : memref<1x!tpu.dma_semaphore, #tpu.memory_space<semaphore_mem>> -> memref<!tpu.dma_semaphore, #tpu.memory_space<semaphore_mem>>
      tpu.wait_indirect_dma semaphore(%dma_wait3A_516 : memref<!tpu.dma_semaphore, #tpu.memory_space<semaphore_mem>>) src(%dma_wait3A_514 : memref<1000000x64xf32, #tpu.memory_space<hbm>>) dst(%dma_wait3A_510 : memref<400x64xf32, #tpu.memory_space<vmem>>)
      %mul3A_517 = arith.constant 400 : i32
      %mul3A_518 = arith.muli %add3A_501, %mul3A_517 : i32
      %multiple_of3A_519 = tpu.assume_multiple %mul3A_518, 400 : i32
      %add3A_520 = arith.addi %mul3A_2, %multiple_of3A_519 : i32
      %dma_start3A_521 = arith.constant 3 : i32
      %dma_start3A_522 = arith.constant 3 : i32
      %dma_start3A_523 = arith.constant 0 : i32
      %dma_start3A_524 = arith.constant 0 : i32
      %dma_start3A_525 = tpu.memref_slice %arg6[%dma_start3A_521, %dma_start3A_523, %dma_start3A_524] : memref<4x400x64xf32, #tpu.memory_space<vmem>> -> memref<1x400x64xf32, #tpu.memory_space<vmem>>
      %dma_start3A_526 = tpu.memref_squeeze %dma_start3A_525 : memref<1x400x64xf32, #tpu.memory_space<vmem>> -> memref<400x64xf32, #tpu.memory_space<vmem>>
      %dma_start3A_527 = arith.constant 0 : i32
      %dma_start3A_528 = tpu.memref_slice %arg4[%add3A_520, %dma_start3A_527] : memref<819200x128xf32, #tpu.memory_space<hbm>> -> memref<400x64xf32, #tpu.memory_space<hbm>>
      %dma_start3A_529 = tpu.memref_slice %arg8[%dma_start3A_522] : memref<4x!tpu.dma_semaphore, #tpu.memory_space<semaphore_mem>> -> memref<1x!tpu.dma_semaphore, #tpu.memory_space<semaphore_mem>>
      %dma_start3A_530 = tpu.memref_squeeze %dma_start3A_529 : memref<1x!tpu.dma_semaphore, #tpu.memory_space<semaphore_mem>> -> memref<!tpu.dma_semaphore, #tpu.memory_space<semaphore_mem>>
      %dma_start3A_531 = arith.constant 0 : i32
      %dma_start3A_532 = tpu.memref_slice %arg4[%add3A_520, %dma_start3A_531] : memref<819200x128xf32, #tpu.memory_space<hbm>> -> memref<400x64xf32, #tpu.memory_space<hbm>>
      %dma_start3A_533 = arith.constant 0 : i32
      %dma_start3A_534 = arith.constant 0 : i32
      %dma_start3A_535 = tpu.memref_slice %arg6[%dma_start3A_521, %dma_start3A_533, %dma_start3A_534] : memref<4x400x64xf32, #tpu.memory_space<vmem>> -> memref<1x400x64xf32, #tpu.memory_space<vmem>>
      %dma_start3A_536 = tpu.memref_squeeze %dma_start3A_535 : memref<1x400x64xf32, #tpu.memory_space<vmem>> -> memref<400x64xf32, #tpu.memory_space<vmem>>
      tpu.enqueue_dma source(%dma_start3A_536 : memref<400x64xf32, #tpu.memory_space<vmem>>) target(%dma_start3A_532 : memref<400x64xf32, #tpu.memory_space<hbm>>) target_semaphore(%dma_start3A_530 : memref<!tpu.dma_semaphore, #tpu.memory_space<semaphore_mem>>)
      %mul3A_537 = arith.constant 400 : i32
      %mul3A_538 = arith.muli %add3A_501, %mul3A_537 : i32
      %multiple_of3A_539 = tpu.assume_multiple %mul3A_538, 400 : i32
      %add3A_540 = arith.addi %mul3A_2, %multiple_of3A_539 : i32
      %dma_wait3A_541 = arith.constant 3 : i32
      %dma_wait3A_542 = arith.constant 3 : i32
      %dma_wait3A_543 = arith.constant 0 : i32
      %dma_wait3A_544 = arith.constant 0 : i32
      %dma_wait3A_545 = tpu.memref_slice %arg6[%dma_wait3A_541, %dma_wait3A_543, %dma_wait3A_544] : memref<4x400x64xf32, #tpu.memory_space<vmem>> -> memref<1x400x64xf32, #tpu.memory_space<vmem>>
      %dma_wait3A_546 = tpu.memref_squeeze %dma_wait3A_545 : memref<1x400x64xf32, #tpu.memory_space<vmem>> -> memref<400x64xf32, #tpu.memory_space<vmem>>
      %dma_wait3A_547 = arith.constant 0 : i32
      %dma_wait3A_548 = tpu.memref_slice %arg4[%add3A_540, %dma_wait3A_547] : memref<819200x128xf32, #tpu.memory_space<hbm>> -> memref<400x64xf32, #tpu.memory_space<hbm>>
      %dma_wait3A_549 = tpu.memref_slice %arg8[%dma_wait3A_542] : memref<4x!tpu.dma_semaphore, #tpu.memory_space<semaphore_mem>> -> memref<1x!tpu.dma_semaphore, #tpu.memory_space<semaphore_mem>>
      %dma_wait3A_550 = tpu.memref_squeeze %dma_wait3A_549 : memref<1x!tpu.dma_semaphore, #tpu.memory_space<semaphore_mem>> -> memref<!tpu.dma_semaphore, #tpu.memory_space<semaphore_mem>>
      %dma_wait3A_551 = arith.constant 0 : i32
      %dma_wait3A_552 = tpu.memref_slice %arg4[%add3A_540, %dma_wait3A_551] : memref<819200x128xf32, #tpu.memory_space<hbm>> -> memref<400x64xf32, #tpu.memory_space<hbm>>
      %dma_wait3A_553 = arith.constant 0 : i32
      %dma_wait3A_554 = arith.constant 0 : i32
      %dma_wait3A_555 = tpu.memref_slice %arg6[%dma_wait3A_541, %dma_wait3A_553, %dma_wait3A_554] : memref<4x400x64xf32, #tpu.memory_space<vmem>> -> memref<1x400x64xf32, #tpu.memory_space<vmem>>
      %dma_wait3A_556 = tpu.memref_squeeze %dma_wait3A_555 : memref<1x400x64xf32, #tpu.memory_space<vmem>> -> memref<400x64xf32, #tpu.memory_space<vmem>>
      tpu.wait_dma2 semaphore(%dma_wait3A_550 : memref<!tpu.dma_semaphore, #tpu.memory_space<semaphore_mem>>) src(%dma_wait3A_556 : memref<400x64xf32, #tpu.memory_space<vmem>>) dst(%dma_wait3A_552 : memref<400x64xf32, #tpu.memory_space<hbm>>)
      %add3A_557 = arith.constant 4 : i32
      %add3A_558 = arith.addi %add3A_501, %add3A_557 : i32
      %mul3A_559 = arith.constant 400 : i32
      %mul3A_560 = arith.muli %add3A_558, %mul3A_559 : i32
      %multiple_of3A_561 = tpu.assume_multiple %mul3A_560, 400 : i32
      %dma_start3A_562 = arith.constant 3 : i32
      %dma_start3A_563 = arith.constant 3 : i32
      %dma_start3A_564 = arith.constant 0 : i32
      %dma_start3A_565 = arith.constant 0 : i32
      %dma_start3A_566 = tpu.memref_slice %arg6[%dma_start3A_562, %dma_start3A_564, %dma_start3A_565] : memref<4x400x64xf32, #tpu.memory_space<vmem>> -> memref<1x400x64xf32, #tpu.memory_space<vmem>>
      %dma_start3A_567 = tpu.memref_squeeze %dma_start3A_566 : memref<1x400x64xf32, #tpu.memory_space<vmem>> -> memref<400x64xf32, #tpu.memory_space<vmem>>
      %dma_start3A_568 = tpu.memref_slice %arg5[%multiple_of3A_561] : memref<25600xi32, #tpu.memory_space<vmem>> -> memref<400xi32, #tpu.memory_space<vmem>>
      %dma_start3A_569 = arith.constant 0 : i32
      %dma_start3A_570 = arith.constant 0 : i32
      %dma_start3A_571 = tpu.memref_slice %arg3[%dma_start3A_569, %dma_start3A_570] : memref<1000000x64xf32, #tpu.memory_space<hbm>> -> memref<1000000x64xf32, #tpu.memory_space<hbm>>
      %dma_start3A_572 = tpu.memref_slice %arg7[%dma_start3A_563] : memref<4x!tpu.dma_semaphore, #tpu.memory_space<semaphore_mem>> -> memref<1x!tpu.dma_semaphore, #tpu.memory_space<semaphore_mem>>
      %dma_start3A_573 = tpu.memref_squeeze %dma_start3A_572 : memref<1x!tpu.dma_semaphore, #tpu.memory_space<semaphore_mem>> -> memref<!tpu.dma_semaphore, #tpu.memory_space<semaphore_mem>>
      tpu.enqueue_indirect_dma source(%dma_start3A_571 : memref<1000000x64xf32, #tpu.memory_space<hbm>>) target(%dma_start3A_567 : memref<400x64xf32, #tpu.memory_space<vmem>>) offsets(%dma_start3A_568 : memref<400xi32, #tpu.memory_space<vmem>>) semaphore(%dma_start3A_573 : memref<!tpu.dma_semaphore, #tpu.memory_space<semaphore_mem>>)
    }
    %scan3A_61 = arith.constant 15 : i32
    %multiple_of3A_62 = arith.constant 24000 : i32
    %multiple_of3A_63 = tpu.assume_multiple %multiple_of3A_62, 400 : i32
    %dma_wait3A = arith.constant 0 : i32
    %dma_wait3A_64 = arith.constant 0 : i32
    %dma_wait3A_65 = arith.constant 0 : i32
    %dma_wait3A_66 = arith.constant 0 : i32
    %dma_wait3A_67 = tpu.memref_slice %arg6[%dma_wait3A, %dma_wait3A_65, %dma_wait3A_66] : memref<4x400x64xf32, #tpu.memory_space<vmem>> -> memref<1x400x64xf32, #tpu.memory_space<vmem>>
    %dma_wait3A_68 = tpu.memref_squeeze %dma_wait3A_67 : memref<1x400x64xf32, #tpu.memory_space<vmem>> -> memref<400x64xf32, #tpu.memory_space<vmem>>
    %dma_wait3A_69 = tpu.memref_slice %arg5[%multiple_of3A_63] : memref<25600xi32, #tpu.memory_space<vmem>> -> memref<400xi32, #tpu.memory_space<vmem>>
    %dma_wait3A_70 = arith.constant 0 : i32
    %dma_wait3A_71 = arith.constant 0 : i32
    %dma_wait3A_72 = tpu.memref_slice %arg3[%dma_wait3A_70, %dma_wait3A_71] : memref<1000000x64xf32, #tpu.memory_space<hbm>> -> memref<1000000x64xf32, #tpu.memory_space<hbm>>
    %dma_wait3A_73 = tpu.memref_slice %arg7[%dma_wait3A_64] : memref<4x!tpu.dma_semaphore, #tpu.memory_space<semaphore_mem>> -> memref<1x!tpu.dma_semaphore, #tpu.memory_space<semaphore_mem>>
    %dma_wait3A_74 = tpu.memref_squeeze %dma_wait3A_73 : memref<1x!tpu.dma_semaphore, #tpu.memory_space<semaphore_mem>> -> memref<!tpu.dma_semaphore, #tpu.memory_space<semaphore_mem>>
    tpu.wait_indirect_dma semaphore(%dma_wait3A_74 : memref<!tpu.dma_semaphore, #tpu.memory_space<semaphore_mem>>) src(%dma_wait3A_72 : memref<1000000x64xf32, #tpu.memory_space<hbm>>) dst(%dma_wait3A_68 : memref<400x64xf32, #tpu.memory_space<vmem>>)
    %multiple_of3A_75 = arith.constant 24000 : i32
    %multiple_of3A_76 = tpu.assume_multiple %multiple_of3A_75, 400 : i32
    %add3A_77 = arith.addi %mul3A_2, %multiple_of3A_76 : i32
    %dma_start3A_78 = arith.constant 0 : i32
    %dma_start3A_79 = arith.constant 0 : i32
    %dma_start3A_80 = arith.constant 0 : i32
    %dma_start3A_81 = arith.constant 0 : i32
    %dma_start3A_82 = tpu.memref_slice %arg6[%dma_start3A_78, %dma_start3A_80, %dma_start3A_81] : memref<4x400x64xf32, #tpu.memory_space<vmem>> -> memref<1x400x64xf32, #tpu.memory_space<vmem>>
    %dma_start3A_83 = tpu.memref_squeeze %dma_start3A_82 : memref<1x400x64xf32, #tpu.memory_space<vmem>> -> memref<400x64xf32, #tpu.memory_space<vmem>>
    %dma_start3A_84 = arith.constant 0 : i32
    %dma_start3A_85 = tpu.memref_slice %arg4[%add3A_77, %dma_start3A_84] : memref<819200x128xf32, #tpu.memory_space<hbm>> -> memref<400x64xf32, #tpu.memory_space<hbm>>
    %dma_start3A_86 = tpu.memref_slice %arg8[%dma_start3A_79] : memref<4x!tpu.dma_semaphore, #tpu.memory_space<semaphore_mem>> -> memref<1x!tpu.dma_semaphore, #tpu.memory_space<semaphore_mem>>
    %dma_start3A_87 = tpu.memref_squeeze %dma_start3A_86 : memref<1x!tpu.dma_semaphore, #tpu.memory_space<semaphore_mem>> -> memref<!tpu.dma_semaphore, #tpu.memory_space<semaphore_mem>>
    %dma_start3A_88 = arith.constant 0 : i32
    %dma_start3A_89 = tpu.memref_slice %arg4[%add3A_77, %dma_start3A_88] : memref<819200x128xf32, #tpu.memory_space<hbm>> -> memref<400x64xf32, #tpu.memory_space<hbm>>
    %dma_start3A_90 = arith.constant 0 : i32
    %dma_start3A_91 = arith.constant 0 : i32
    %dma_start3A_92 = tpu.memref_slice %arg6[%dma_start3A_78, %dma_start3A_90, %dma_start3A_91] : memref<4x400x64xf32, #tpu.memory_space<vmem>> -> memref<1x400x64xf32, #tpu.memory_space<vmem>>
    %dma_start3A_93 = tpu.memref_squeeze %dma_start3A_92 : memref<1x400x64xf32, #tpu.memory_space<vmem>> -> memref<400x64xf32, #tpu.memory_space<vmem>>
    tpu.enqueue_dma source(%dma_start3A_93 : memref<400x64xf32, #tpu.memory_space<vmem>>) target(%dma_start3A_89 : memref<400x64xf32, #tpu.memory_space<hbm>>) target_semaphore(%dma_start3A_87 : memref<!tpu.dma_semaphore, #tpu.memory_space<semaphore_mem>>)
    %multiple_of3A_94 = arith.constant 24000 : i32
    %multiple_of3A_95 = tpu.assume_multiple %multiple_of3A_94, 400 : i32
    %add3A_96 = arith.addi %mul3A_2, %multiple_of3A_95 : i32
    %dma_wait3A_97 = arith.constant 0 : i32
    %dma_wait3A_98 = arith.constant 0 : i32
    %dma_wait3A_99 = arith.constant 0 : i32
    %dma_wait3A_100 = arith.constant 0 : i32
    %dma_wait3A_101 = tpu.memref_slice %arg6[%dma_wait3A_97, %dma_wait3A_99, %dma_wait3A_100] : memref<4x400x64xf32, #tpu.memory_space<vmem>> -> memref<1x400x64xf32, #tpu.memory_space<vmem>>
    %dma_wait3A_102 = tpu.memref_squeeze %dma_wait3A_101 : memref<1x400x64xf32, #tpu.memory_space<vmem>> -> memref<400x64xf32, #tpu.memory_space<vmem>>
    %dma_wait3A_103 = arith.constant 0 : i32
    %dma_wait3A_104 = tpu.memref_slice %arg4[%add3A_96, %dma_wait3A_103] : memref<819200x128xf32, #tpu.memory_space<hbm>> -> memref<400x64xf32, #tpu.memory_space<hbm>>
    %dma_wait3A_105 = tpu.memref_slice %arg8[%dma_wait3A_98] : memref<4x!tpu.dma_semaphore, #tpu.memory_space<semaphore_mem>> -> memref<1x!tpu.dma_semaphore, #tpu.memory_space<semaphore_mem>>
    %dma_wait3A_106 = tpu.memref_squeeze %dma_wait3A_105 : memref<1x!tpu.dma_semaphore, #tpu.memory_space<semaphore_mem>> -> memref<!tpu.dma_semaphore, #tpu.memory_space<semaphore_mem>>
    %dma_wait3A_107 = arith.constant 0 : i32
    %dma_wait3A_108 = tpu.memref_slice %arg4[%add3A_96, %dma_wait3A_107] : memref<819200x128xf32, #tpu.memory_space<hbm>> -> memref<400x64xf32, #tpu.memory_space<hbm>>
    %dma_wait3A_109 = arith.constant 0 : i32
    %dma_wait3A_110 = arith.constant 0 : i32
    %dma_wait3A_111 = tpu.memref_slice %arg6[%dma_wait3A_97, %dma_wait3A_109, %dma_wait3A_110] : memref<4x400x64xf32, #tpu.memory_space<vmem>> -> memref<1x400x64xf32, #tpu.memory_space<vmem>>
    %dma_wait3A_112 = tpu.memref_squeeze %dma_wait3A_111 : memref<1x400x64xf32, #tpu.memory_space<vmem>> -> memref<400x64xf32, #tpu.memory_space<vmem>>
    tpu.wait_dma2 semaphore(%dma_wait3A_106 : memref<!tpu.dma_semaphore, #tpu.memory_space<semaphore_mem>>) src(%dma_wait3A_112 : memref<400x64xf32, #tpu.memory_space<vmem>>) dst(%dma_wait3A_108 : memref<400x64xf32, #tpu.memory_space<hbm>>)
    %multiple_of3A_113 = arith.constant 24400 : i32
    %multiple_of3A_114 = tpu.assume_multiple %multiple_of3A_113, 400 : i32
    %dma_wait3A_115 = arith.constant 1 : i32
    %dma_wait3A_116 = arith.constant 1 : i32
    %dma_wait3A_117 = arith.constant 0 : i32
    %dma_wait3A_118 = arith.constant 0 : i32
    %dma_wait3A_119 = tpu.memref_slice %arg6[%dma_wait3A_115, %dma_wait3A_117, %dma_wait3A_118] : memref<4x400x64xf32, #tpu.memory_space<vmem>> -> memref<1x400x64xf32, #tpu.memory_space<vmem>>
    %dma_wait3A_120 = tpu.memref_squeeze %dma_wait3A_119 : memref<1x400x64xf32, #tpu.memory_space<vmem>> -> memref<400x64xf32, #tpu.memory_space<vmem>>
    %dma_wait3A_121 = tpu.memref_slice %arg5[%multiple_of3A_114] : memref<25600xi32, #tpu.memory_space<vmem>> -> memref<400xi32, #tpu.memory_space<vmem>>
    %dma_wait3A_122 = arith.constant 0 : i32
    %dma_wait3A_123 = arith.constant 0 : i32
    %dma_wait3A_124 = tpu.memref_slice %arg3[%dma_wait3A_122, %dma_wait3A_123] : memref<1000000x64xf32, #tpu.memory_space<hbm>> -> memref<1000000x64xf32, #tpu.memory_space<hbm>>
    %dma_wait3A_125 = tpu.memref_slice %arg7[%dma_wait3A_116] : memref<4x!tpu.dma_semaphore, #tpu.memory_space<semaphore_mem>> -> memref<1x!tpu.dma_semaphore, #tpu.memory_space<semaphore_mem>>
    %dma_wait3A_126 = tpu.memref_squeeze %dma_wait3A_125 : memref<1x!tpu.dma_semaphore, #tpu.memory_space<semaphore_mem>> -> memref<!tpu.dma_semaphore, #tpu.memory_space<semaphore_mem>>
    tpu.wait_indirect_dma semaphore(%dma_wait3A_126 : memref<!tpu.dma_semaphore, #tpu.memory_space<semaphore_mem>>) src(%dma_wait3A_124 : memref<1000000x64xf32, #tpu.memory_space<hbm>>) dst(%dma_wait3A_120 : memref<400x64xf32, #tpu.memory_space<vmem>>)
    %multiple_of3A_127 = arith.constant 24400 : i32
    %multiple_of3A_128 = tpu.assume_multiple %multiple_of3A_127, 400 : i32
    %add3A_129 = arith.addi %mul3A_2, %multiple_of3A_128 : i32
    %dma_start3A_130 = arith.constant 1 : i32
    %dma_start3A_131 = arith.constant 1 : i32
    %dma_start3A_132 = arith.constant 0 : i32
    %dma_start3A_133 = arith.constant 0 : i32
    %dma_start3A_134 = tpu.memref_slice %arg6[%dma_start3A_130, %dma_start3A_132, %dma_start3A_133] : memref<4x400x64xf32, #tpu.memory_space<vmem>> -> memref<1x400x64xf32, #tpu.memory_space<vmem>>
    %dma_start3A_135 = tpu.memref_squeeze %dma_start3A_134 : memref<1x400x64xf32, #tpu.memory_space<vmem>> -> memref<400x64xf32, #tpu.memory_space<vmem>>
    %dma_start3A_136 = arith.constant 0 : i32
    %dma_start3A_137 = tpu.memref_slice %arg4[%add3A_129, %dma_start3A_136] : memref<819200x128xf32, #tpu.memory_space<hbm>> -> memref<400x64xf32, #tpu.memory_space<hbm>>
    %dma_start3A_138 = tpu.memref_slice %arg8[%dma_start3A_131] : memref<4x!tpu.dma_semaphore, #tpu.memory_space<semaphore_mem>> -> memref<1x!tpu.dma_semaphore, #tpu.memory_space<semaphore_mem>>
    %dma_start3A_139 = tpu.memref_squeeze %dma_start3A_138 : memref<1x!tpu.dma_semaphore, #tpu.memory_space<semaphore_mem>> -> memref<!tpu.dma_semaphore, #tpu.memory_space<semaphore_mem>>
    %dma_start3A_140 = arith.constant 0 : i32
    %dma_start3A_141 = tpu.memref_slice %arg4[%add3A_129, %dma_start3A_140] : memref<819200x128xf32, #tpu.memory_space<hbm>> -> memref<400x64xf32, #tpu.memory_space<hbm>>
    %dma_start3A_142 = arith.constant 0 : i32
    %dma_start3A_143 = arith.constant 0 : i32
    %dma_start3A_144 = tpu.memref_slice %arg6[%dma_start3A_130, %dma_start3A_142, %dma_start3A_143] : memref<4x400x64xf32, #tpu.memory_space<vmem>> -> memref<1x400x64xf32, #tpu.memory_space<vmem>>
    %dma_start3A_145 = tpu.memref_squeeze %dma_start3A_144 : memref<1x400x64xf32, #tpu.memory_space<vmem>> -> memref<400x64xf32, #tpu.memory_space<vmem>>
    tpu.enqueue_dma source(%dma_start3A_145 : memref<400x64xf32, #tpu.memory_space<vmem>>) target(%dma_start3A_141 : memref<400x64xf32, #tpu.memory_space<hbm>>) target_semaphore(%dma_start3A_139 : memref<!tpu.dma_semaphore, #tpu.memory_space<semaphore_mem>>)
    %multiple_of3A_146 = arith.constant 24400 : i32
    %multiple_of3A_147 = tpu.assume_multiple %multiple_of3A_146, 400 : i32
    %add3A_148 = arith.addi %mul3A_2, %multiple_of3A_147 : i32
    %dma_wait3A_149 = arith.constant 1 : i32
    %dma_wait3A_150 = arith.constant 1 : i32
    %dma_wait3A_151 = arith.constant 0 : i32
    %dma_wait3A_152 = arith.constant 0 : i32
    %dma_wait3A_153 = tpu.memref_slice %arg6[%dma_wait3A_149, %dma_wait3A_151, %dma_wait3A_152] : memref<4x400x64xf32, #tpu.memory_space<vmem>> -> memref<1x400x64xf32, #tpu.memory_space<vmem>>
    %dma_wait3A_154 = tpu.memref_squeeze %dma_wait3A_153 : memref<1x400x64xf32, #tpu.memory_space<vmem>> -> memref<400x64xf32, #tpu.memory_space<vmem>>
    %dma_wait3A_155 = arith.constant 0 : i32
    %dma_wait3A_156 = tpu.memref_slice %arg4[%add3A_148, %dma_wait3A_155] : memref<819200x128xf32, #tpu.memory_space<hbm>> -> memref<400x64xf32, #tpu.memory_space<hbm>>
    %dma_wait3A_157 = tpu.memref_slice %arg8[%dma_wait3A_150] : memref<4x!tpu.dma_semaphore, #tpu.memory_space<semaphore_mem>> -> memref<1x!tpu.dma_semaphore, #tpu.memory_space<semaphore_mem>>
    %dma_wait3A_158 = tpu.memref_squeeze %dma_wait3A_157 : memref<1x!tpu.dma_semaphore, #tpu.memory_space<semaphore_mem>> -> memref<!tpu.dma_semaphore, #tpu.memory_space<semaphore_mem>>
    %dma_wait3A_159 = arith.constant 0 : i32
    %dma_wait3A_160 = tpu.memref_slice %arg4[%add3A_148, %dma_wait3A_159] : memref<819200x128xf32, #tpu.memory_space<hbm>> -> memref<400x64xf32, #tpu.memory_space<hbm>>
    %dma_wait3A_161 = arith.constant 0 : i32
    %dma_wait3A_162 = arith.constant 0 : i32
    %dma_wait3A_163 = tpu.memref_slice %arg6[%dma_wait3A_149, %dma_wait3A_161, %dma_wait3A_162] : memref<4x400x64xf32, #tpu.memory_space<vmem>> -> memref<1x400x64xf32, #tpu.memory_space<vmem>>
    %dma_wait3A_164 = tpu.memref_squeeze %dma_wait3A_163 : memref<1x400x64xf32, #tpu.memory_space<vmem>> -> memref<400x64xf32, #tpu.memory_space<vmem>>
    tpu.wait_dma2 semaphore(%dma_wait3A_158 : memref<!tpu.dma_semaphore, #tpu.memory_space<semaphore_mem>>) src(%dma_wait3A_164 : memref<400x64xf32, #tpu.memory_space<vmem>>) dst(%dma_wait3A_160 : memref<400x64xf32, #tpu.memory_space<hbm>>)
    %multiple_of3A_165 = arith.constant 24800 : i32
    %multiple_of3A_166 = tpu.assume_multiple %multiple_of3A_165, 400 : i32
    %dma_wait3A_167 = arith.constant 2 : i32
    %dma_wait3A_168 = arith.constant 2 : i32
    %dma_wait3A_169 = arith.constant 0 : i32
    %dma_wait3A_170 = arith.constant 0 : i32
    %dma_wait3A_171 = tpu.memref_slice %arg6[%dma_wait3A_167, %dma_wait3A_169, %dma_wait3A_170] : memref<4x400x64xf32, #tpu.memory_space<vmem>> -> memref<1x400x64xf32, #tpu.memory_space<vmem>>
    %dma_wait3A_172 = tpu.memref_squeeze %dma_wait3A_171 : memref<1x400x64xf32, #tpu.memory_space<vmem>> -> memref<400x64xf32, #tpu.memory_space<vmem>>
    %dma_wait3A_173 = tpu.memref_slice %arg5[%multiple_of3A_166] : memref<25600xi32, #tpu.memory_space<vmem>> -> memref<400xi32, #tpu.memory_space<vmem>>
    %dma_wait3A_174 = arith.constant 0 : i32
    %dma_wait3A_175 = arith.constant 0 : i32
    %dma_wait3A_176 = tpu.memref_slice %arg3[%dma_wait3A_174, %dma_wait3A_175] : memref<1000000x64xf32, #tpu.memory_space<hbm>> -> memref<1000000x64xf32, #tpu.memory_space<hbm>>
    %dma_wait3A_177 = tpu.memref_slice %arg7[%dma_wait3A_168] : memref<4x!tpu.dma_semaphore, #tpu.memory_space<semaphore_mem>> -> memref<1x!tpu.dma_semaphore, #tpu.memory_space<semaphore_mem>>
    %dma_wait3A_178 = tpu.memref_squeeze %dma_wait3A_177 : memref<1x!tpu.dma_semaphore, #tpu.memory_space<semaphore_mem>> -> memref<!tpu.dma_semaphore, #tpu.memory_space<semaphore_mem>>
    tpu.wait_indirect_dma semaphore(%dma_wait3A_178 : memref<!tpu.dma_semaphore, #tpu.memory_space<semaphore_mem>>) src(%dma_wait3A_176 : memref<1000000x64xf32, #tpu.memory_space<hbm>>) dst(%dma_wait3A_172 : memref<400x64xf32, #tpu.memory_space<vmem>>)
    %multiple_of3A_179 = arith.constant 24800 : i32
    %multiple_of3A_180 = tpu.assume_multiple %multiple_of3A_179, 400 : i32
    %add3A_181 = arith.addi %mul3A_2, %multiple_of3A_180 : i32
    %dma_start3A_182 = arith.constant 2 : i32
    %dma_start3A_183 = arith.constant 2 : i32
    %dma_start3A_184 = arith.constant 0 : i32
    %dma_start3A_185 = arith.constant 0 : i32
    %dma_start3A_186 = tpu.memref_slice %arg6[%dma_start3A_182, %dma_start3A_184, %dma_start3A_185] : memref<4x400x64xf32, #tpu.memory_space<vmem>> -> memref<1x400x64xf32, #tpu.memory_space<vmem>>
    %dma_start3A_187 = tpu.memref_squeeze %dma_start3A_186 : memref<1x400x64xf32, #tpu.memory_space<vmem>> -> memref<400x64xf32, #tpu.memory_space<vmem>>
    %dma_start3A_188 = arith.constant 0 : i32
    %dma_start3A_189 = tpu.memref_slice %arg4[%add3A_181, %dma_start3A_188] : memref<819200x128xf32, #tpu.memory_space<hbm>> -> memref<400x64xf32, #tpu.memory_space<hbm>>
    %dma_start3A_190 = tpu.memref_slice %arg8[%dma_start3A_183] : memref<4x!tpu.dma_semaphore, #tpu.memory_space<semaphore_mem>> -> memref<1x!tpu.dma_semaphore, #tpu.memory_space<semaphore_mem>>
    %dma_start3A_191 = tpu.memref_squeeze %dma_start3A_190 : memref<1x!tpu.dma_semaphore, #tpu.memory_space<semaphore_mem>> -> memref<!tpu.dma_semaphore, #tpu.memory_space<semaphore_mem>>
    %dma_start3A_192 = arith.constant 0 : i32
    %dma_start3A_193 = tpu.memref_slice %arg4[%add3A_181, %dma_start3A_192] : memref<819200x128xf32, #tpu.memory_space<hbm>> -> memref<400x64xf32, #tpu.memory_space<hbm>>
    %dma_start3A_194 = arith.constant 0 : i32
    %dma_start3A_195 = arith.constant 0 : i32
    %dma_start3A_196 = tpu.memref_slice %arg6[%dma_start3A_182, %dma_start3A_194, %dma_start3A_195] : memref<4x400x64xf32, #tpu.memory_space<vmem>> -> memref<1x400x64xf32, #tpu.memory_space<vmem>>
    %dma_start3A_197 = tpu.memref_squeeze %dma_start3A_196 : memref<1x400x64xf32, #tpu.memory_space<vmem>> -> memref<400x64xf32, #tpu.memory_space<vmem>>
    tpu.enqueue_dma source(%dma_start3A_197 : memref<400x64xf32, #tpu.memory_space<vmem>>) target(%dma_start3A_193 : memref<400x64xf32, #tpu.memory_space<hbm>>) target_semaphore(%dma_start3A_191 : memref<!tpu.dma_semaphore, #tpu.memory_space<semaphore_mem>>)
    %multiple_of3A_198 = arith.constant 24800 : i32
    %multiple_of3A_199 = tpu.assume_multiple %multiple_of3A_198, 400 : i32
    %add3A_200 = arith.addi %mul3A_2, %multiple_of3A_199 : i32
    %dma_wait3A_201 = arith.constant 2 : i32
    %dma_wait3A_202 = arith.constant 2 : i32
    %dma_wait3A_203 = arith.constant 0 : i32
    %dma_wait3A_204 = arith.constant 0 : i32
    %dma_wait3A_205 = tpu.memref_slice %arg6[%dma_wait3A_201, %dma_wait3A_203, %dma_wait3A_204] : memref<4x400x64xf32, #tpu.memory_space<vmem>> -> memref<1x400x64xf32, #tpu.memory_space<vmem>>
    %dma_wait3A_206 = tpu.memref_squeeze %dma_wait3A_205 : memref<1x400x64xf32, #tpu.memory_space<vmem>> -> memref<400x64xf32, #tpu.memory_space<vmem>>
    %dma_wait3A_207 = arith.constant 0 : i32
    %dma_wait3A_208 = tpu.memref_slice %arg4[%add3A_200, %dma_wait3A_207] : memref<819200x128xf32, #tpu.memory_space<hbm>> -> memref<400x64xf32, #tpu.memory_space<hbm>>
    %dma_wait3A_209 = tpu.memref_slice %arg8[%dma_wait3A_202] : memref<4x!tpu.dma_semaphore, #tpu.memory_space<semaphore_mem>> -> memref<1x!tpu.dma_semaphore, #tpu.memory_space<semaphore_mem>>
    %dma_wait3A_210 = tpu.memref_squeeze %dma_wait3A_209 : memref<1x!tpu.dma_semaphore, #tpu.memory_space<semaphore_mem>> -> memref<!tpu.dma_semaphore, #tpu.memory_space<semaphore_mem>>
    %dma_wait3A_211 = arith.constant 0 : i32
    %dma_wait3A_212 = tpu.memref_slice %arg4[%add3A_200, %dma_wait3A_211] : memref<819200x128xf32, #tpu.memory_space<hbm>> -> memref<400x64xf32, #tpu.memory_space<hbm>>
    %dma_wait3A_213 = arith.constant 0 : i32
    %dma_wait3A_214 = arith.constant 0 : i32
    %dma_wait3A_215 = tpu.memref_slice %arg6[%dma_wait3A_201, %dma_wait3A_213, %dma_wait3A_214] : memref<4x400x64xf32, #tpu.memory_space<vmem>> -> memref<1x400x64xf32, #tpu.memory_space<vmem>>
    %dma_wait3A_216 = tpu.memref_squeeze %dma_wait3A_215 : memref<1x400x64xf32, #tpu.memory_space<vmem>> -> memref<400x64xf32, #tpu.memory_space<vmem>>
    tpu.wait_dma2 semaphore(%dma_wait3A_210 : memref<!tpu.dma_semaphore, #tpu.memory_space<semaphore_mem>>) src(%dma_wait3A_216 : memref<400x64xf32, #tpu.memory_space<vmem>>) dst(%dma_wait3A_212 : memref<400x64xf32, #tpu.memory_space<hbm>>)
    %multiple_of3A_217 = arith.constant 25200 : i32
    %multiple_of3A_218 = tpu.assume_multiple %multiple_of3A_217, 400 : i32
    %dma_wait3A_219 = arith.constant 3 : i32
    %dma_wait3A_220 = arith.constant 3 : i32
    %dma_wait3A_221 = arith.constant 0 : i32
    %dma_wait3A_222 = arith.constant 0 : i32
    %dma_wait3A_223 = tpu.memref_slice %arg6[%dma_wait3A_219, %dma_wait3A_221, %dma_wait3A_222] : memref<4x400x64xf32, #tpu.memory_space<vmem>> -> memref<1x400x64xf32, #tpu.memory_space<vmem>>
    %dma_wait3A_224 = tpu.memref_squeeze %dma_wait3A_223 : memref<1x400x64xf32, #tpu.memory_space<vmem>> -> memref<400x64xf32, #tpu.memory_space<vmem>>
    %dma_wait3A_225 = tpu.memref_slice %arg5[%multiple_of3A_218] : memref<25600xi32, #tpu.memory_space<vmem>> -> memref<400xi32, #tpu.memory_space<vmem>>
    %dma_wait3A_226 = arith.constant 0 : i32
    %dma_wait3A_227 = arith.constant 0 : i32
    %dma_wait3A_228 = tpu.memref_slice %arg3[%dma_wait3A_226, %dma_wait3A_227] : memref<1000000x64xf32, #tpu.memory_space<hbm>> -> memref<1000000x64xf32, #tpu.memory_space<hbm>>
    %dma_wait3A_229 = tpu.memref_slice %arg7[%dma_wait3A_220] : memref<4x!tpu.dma_semaphore, #tpu.memory_space<semaphore_mem>> -> memref<1x!tpu.dma_semaphore, #tpu.memory_space<semaphore_mem>>
    %dma_wait3A_230 = tpu.memref_squeeze %dma_wait3A_229 : memref<1x!tpu.dma_semaphore, #tpu.memory_space<semaphore_mem>> -> memref<!tpu.dma_semaphore, #tpu.memory_space<semaphore_mem>>
    tpu.wait_indirect_dma semaphore(%dma_wait3A_230 : memref<!tpu.dma_semaphore, #tpu.memory_space<semaphore_mem>>) src(%dma_wait3A_228 : memref<1000000x64xf32, #tpu.memory_space<hbm>>) dst(%dma_wait3A_224 : memref<400x64xf32, #tpu.memory_space<vmem>>)
    %multiple_of3A_231 = arith.constant 25200 : i32
    %multiple_of3A_232 = tpu.assume_multiple %multiple_of3A_231, 400 : i32
    %add3A_233 = arith.addi %mul3A_2, %multiple_of3A_232 : i32
    %dma_start3A_234 = arith.constant 3 : i32
    %dma_start3A_235 = arith.constant 3 : i32
    %dma_start3A_236 = arith.constant 0 : i32
    %dma_start3A_237 = arith.constant 0 : i32
    %dma_start3A_238 = tpu.memref_slice %arg6[%dma_start3A_234, %dma_start3A_236, %dma_start3A_237] : memref<4x400x64xf32, #tpu.memory_space<vmem>> -> memref<1x400x64xf32, #tpu.memory_space<vmem>>
    %dma_start3A_239 = tpu.memref_squeeze %dma_start3A_238 : memref<1x400x64xf32, #tpu.memory_space<vmem>> -> memref<400x64xf32, #tpu.memory_space<vmem>>
    %dma_start3A_240 = arith.constant 0 : i32
    %dma_start3A_241 = tpu.memref_slice %arg4[%add3A_233, %dma_start3A_240] : memref<819200x128xf32, #tpu.memory_space<hbm>> -> memref<400x64xf32, #tpu.memory_space<hbm>>
    %dma_start3A_242 = tpu.memref_slice %arg8[%dma_start3A_235] : memref<4x!tpu.dma_semaphore, #tpu.memory_space<semaphore_mem>> -> memref<1x!tpu.dma_semaphore, #tpu.memory_space<semaphore_mem>>
    %dma_start3A_243 = tpu.memref_squeeze %dma_start3A_242 : memref<1x!tpu.dma_semaphore, #tpu.memory_space<semaphore_mem>> -> memref<!tpu.dma_semaphore, #tpu.memory_space<semaphore_mem>>
    %dma_start3A_244 = arith.constant 0 : i32
    %dma_start3A_245 = tpu.memref_slice %arg4[%add3A_233, %dma_start3A_244] : memref<819200x128xf32, #tpu.memory_space<hbm>> -> memref<400x64xf32, #tpu.memory_space<hbm>>
    %dma_start3A_246 = arith.constant 0 : i32
    %dma_start3A_247 = arith.constant 0 : i32
    %dma_start3A_248 = tpu.memref_slice %arg6[%dma_start3A_234, %dma_start3A_246, %dma_start3A_247] : memref<4x400x64xf32, #tpu.memory_space<vmem>> -> memref<1x400x64xf32, #tpu.memory_space<vmem>>
    %dma_start3A_249 = tpu.memref_squeeze %dma_start3A_248 : memref<1x400x64xf32, #tpu.memory_space<vmem>> -> memref<400x64xf32, #tpu.memory_space<vmem>>
    tpu.enqueue_dma source(%dma_start3A_249 : memref<400x64xf32, #tpu.memory_space<vmem>>) target(%dma_start3A_245 : memref<400x64xf32, #tpu.memory_space<hbm>>) target_semaphore(%dma_start3A_243 : memref<!tpu.dma_semaphore, #tpu.memory_space<semaphore_mem>>)
    %multiple_of3A_250 = arith.constant 25200 : i32
    %multiple_of3A_251 = tpu.assume_multiple %multiple_of3A_250, 400 : i32
    %add3A_252 = arith.addi %mul3A_2, %multiple_of3A_251 : i32
    %dma_wait3A_253 = arith.constant 3 : i32
    %dma_wait3A_254 = arith.constant 3 : i32
    %dma_wait3A_255 = arith.constant 0 : i32
    %dma_wait3A_256 = arith.constant 0 : i32
    %dma_wait3A_257 = tpu.memref_slice %arg6[%dma_wait3A_253, %dma_wait3A_255, %dma_wait3A_256] : memref<4x400x64xf32, #tpu.memory_space<vmem>> -> memref<1x400x64xf32, #tpu.memory_space<vmem>>
    %dma_wait3A_258 = tpu.memref_squeeze %dma_wait3A_257 : memref<1x400x64xf32, #tpu.memory_space<vmem>> -> memref<400x64xf32, #tpu.memory_space<vmem>>
    %dma_wait3A_259 = arith.constant 0 : i32
    %dma_wait3A_260 = tpu.memref_slice %arg4[%add3A_252, %dma_wait3A_259] : memref<819200x128xf32, #tpu.memory_space<hbm>> -> memref<400x64xf32, #tpu.memory_space<hbm>>
    %dma_wait3A_261 = tpu.memref_slice %arg8[%dma_wait3A_254] : memref<4x!tpu.dma_semaphore, #tpu.memory_space<semaphore_mem>> -> memref<1x!tpu.dma_semaphore, #tpu.memory_space<semaphore_mem>>
    %dma_wait3A_262 = tpu.memref_squeeze %dma_wait3A_261 : memref<1x!tpu.dma_semaphore, #tpu.memory_space<semaphore_mem>> -> memref<!tpu.dma_semaphore, #tpu.memory_space<semaphore_mem>>
    %dma_wait3A_263 = arith.constant 0 : i32
    %dma_wait3A_264 = tpu.memref_slice %arg4[%add3A_252, %dma_wait3A_263] : memref<819200x128xf32, #tpu.memory_space<hbm>> -> memref<400x64xf32, #tpu.memory_space<hbm>>
    %dma_wait3A_265 = arith.constant 0 : i32
    %dma_wait3A_266 = arith.constant 0 : i32
    %dma_wait3A_267 = tpu.memref_slice %arg6[%dma_wait3A_253, %dma_wait3A_265, %dma_wait3A_266] : memref<4x400x64xf32, #tpu.memory_space<vmem>> -> memref<1x400x64xf32, #tpu.memory_space<vmem>>
    %dma_wait3A_268 = tpu.memref_squeeze %dma_wait3A_267 : memref<1x400x64xf32, #tpu.memory_space<vmem>> -> memref<400x64xf32, #tpu.memory_space<vmem>>
    tpu.wait_dma2 semaphore(%dma_wait3A_262 : memref<!tpu.dma_semaphore, #tpu.memory_space<semaphore_mem>>) src(%dma_wait3A_268 : memref<400x64xf32, #tpu.memory_space<vmem>>) dst(%dma_wait3A_264 : memref<400x64xf32, #tpu.memory_space<hbm>>)
    return
  }
}

</mosaic_0001>

<sc_bundles>
// kernel: kernel.3.cloned.1.call-start
scs
__scs_entry_jumppad:
0x0: {  	(pc) =	sbr.rel $0x88, $3  }
0x1: {  	(tag) =	ssettag $0x0;
	lr =	simm.s32 $0x1  }
0x2: {  	[smem:$0x3F9F] =	sst lr;
	_ =	strace $0xD0000000  }
0x3: {  	_ = 	snop  }
0x4: {  	_ = 	snop  }
0x5: {  	_ = 	snop  }
0x6: {  	_ = 	snop  }
0x7: {  	_ = 	snop  }
__scs_overlays_trampoline_lowered:
0x8: {  	[smem:$0x3FAE] =	sst s0  }
0x9: {  	[smem:$0x3FAF] =	sst s1  }
0xa: {  	[smem:$0x3FB0] =	sst s2  }
0xb: {  	[smem:$0x3FB1] =	sst s3  }
0xc: {  	[smem:$0x3FB2] =	sst s4  }
0xd: {  	[smem:$0x3FB3] =	sst s5  }
0xe: {  	[smem:$0x3FB4] =	sst s6  }
0xf: {  	[smem:$0x3FB5] =	sst s7  }
0x10: {  	[smem:$0x3FB6] =	sst s8  }
0x11: {  	[smem:$0x3FB7] =	sst s9;
	s0 =	simm.s32 @!p0 $0x0  }
0x12: {  	s1 =	sld [smem:$0x3F9D];
	s0 =	simm.s32 @p0 $0x1  }
0x13: {  	[smem:$0x3FB8] =	sst s0;
	s0 =	simm.s32 @!p1 $0x0  }
0x14: {  	s2 =	sld [smem:$0x3F9C];
	s0 =	simm.s32 @p1 $0x1  }
0x15: {  	[smem:$0x3FB9] =	sst s0;
	s0 =	simm.s32 @!p2 $0x0  }
0x16: {  	s3 =	sld [smem:$0x3FDB];
	s0 =	simm.s32 @p2 $0x1  }
0x17: {  	s4 =	simm.s32 $0x1BF5;
	[smem:$0x3FBB] =	sst s0  }
0x18: {  	s0 =	sld [smem:$0x3F9E];
	_ =	swait.ge [sflag:s4], $0x0  }
0x19: {  	s7 =	sld [smem:$0x3F9F]  }
0x1a: {  	s8 =	sadd.s32 $0xFFFFE003, lr  }
0x1b: {  	s9 =	sadd.s32 $0xFFFFFEF7, lr;
	s5 =	simm.s32 $0xFFFFFFFF;
	p2 =	slt.u32 s8, $0xFFFFF086  }
0x1c: {  	p1 =	slt.u32 s9, $0xF7A;
	s5 =	simm.s32 @!p2 $0x0  }
0x1d: {  	s5 =	simm.s32 @p1 $0x1;
	p0 =	seq.s32 s7, s2  }
0x1e: {  	s7 =	smul.u32 @!p0 $0xF7A, s2;
	p2 =	seq.s32 @!p0 s5, $0x0  }
0x1f: {  	s9 =	smul.u32 $0xF7A, s1;
	s8 =	simm.s32 @!p0 $0x1BF5;
	p2 =	por !p2, p0  }
0x20: {  	[sflag:s8] =	ssyncset.s32 @!p0 $0xFFFFF086;
	s6 =	sadd.s32 @!p0 s3, s7;
	s7 =	simm.s32 @!p0 $0x108  }
0x21: {  	s3 =	sadd.s32 s3, s9;
	s6 =	sadd.s32 @!p0 $0x88, s6;
	s7 =	simm.s32 @p2 $0x1082  }
0x22: {  	[simem:s7], [sflag:s8] =	dma.local @!p0 [hbm:s6], $0xF7A  }
0x23: {  	s9 =	sor.u32 $0xD0000000, s2;
	s6 =	simm.s32 $0x108;
	_ =	swait.ge @!p0 [sflag:s8], $0x0  }
0x24: {  	s3 =	sadd.s32 $0x88, s3;
	s6 =	simm.s32 @!p1 $0x1082;
	[sflag:s4] =	ssyncset.s32 $0xFFFFF086  }
0x25: {  	[simem:s6], [sflag:s4] =	dma.local [hbm:s3], $0xF7A  }
0x26: {  	[smem:$0x3F9F] =	sst s1;
	(tag) =	ssettag s2;
	_ =	strace s9  }
0x27: {  	s1 =	sld [smem:$0x3FAF]  }
0x28: {  	s2 =	sld [smem:$0x3FB0]  }
0x29: {  	s4 =	sld [smem:$0x3FB2]  }
0x2a: {  	p0 =	seq.s32 s5, $0x0;
	s5 =	sld [smem:$0x3FB3]  }
0x2b: {  	s6 =	sld [smem:$0x3FB4]  }
0x2c: {  	s7 =	sld [smem:$0x3FB5]  }
0x2d: {  	s3 =	simm.s32 $0x108;
	s8 =	sld [smem:$0x3FB6]  }
0x2e: {  	s3 =	simm.s32 @!p0 $0x1082;
	s9 =	sld [smem:$0x3FB7]  }
0x2f: {  	lr =	sadd.s32 s0, s3;
	s0 =	sld [smem:$0x3FAE]  }
0x30: {  	s3 =	sld [smem:$0x3FB1]  }
0x31: {  	[smem:$0x3FBA] =	sst s10  }
0x32: {  	s10 =	sld [smem:$0x3FB8];
	_ =	sdelay $0x3  }
0x33: {  	p0 =	seq.s32 s10, $0x1;
	s10 =	sld [smem:$0x3FBA];
	_ =	sdelay $0x3  }
0x34: {  	[smem:$0x3FBA] =	sst s10  }
0x35: {  	s10 =	sld [smem:$0x3FB9];
	_ =	sdelay $0x3  }
0x36: {  	p1 =	seq.s32 s10, $0x1;
	s10 =	sld [smem:$0x3FBA];
	_ =	sdelay $0x3  }
0x37: {  	[smem:$0x3FBA] =	sst s10  }
0x38: {  	s10 =	sld [smem:$0x3FBB]  }
0x39: {  	_ = 	snop;
	(pc) =	sbr.ind lr, $3  }
0x3a: {  	_ = 	snop  }
0x3b: {  	_ = 	snop  }
0x3c: {  	p2 =	seq.s32 s10, $0x1;
	s10 =	sld [smem:$0x3FBA]  }
0x3d: {  	_ =	shalt  }
0x3e: {  	_ =	shalt  }
0x3f: {  	_ =	shalt  }
0x40: {  	_ =	shalt  }
0x41: {  	_ =	shalt  }
0x42: {  	_ =	shalt  }
0x43: {  	_ =	shalt  }
0x44: {  	_ =	shalt  }
0x45: {  	_ =	shalt  }
0x46: {  	_ =	shalt  }
0x47: {  	_ =	shalt  }
0x48: {  	_ =	shalt  }
0x49: {  	_ =	shalt  }
0x4a: {  	_ =	shalt  }
0x4b: {  	_ =	shalt  }
0x4c: {  	_ =	shalt  }
0x4d: {  	_ =	shalt  }
0x4e: {  	_ =	shalt  }
0x4f: {  	_ =	shalt  }
0x50: {  	_ =	shalt  }
0x51: {  	_ =	shalt  }
0x52: {  	_ =	shalt  }
0x53: {  	_ =	shalt  }
0x54: {  	_ =	shalt  }
0x55: {  	_ =	shalt  }
0x56: {  	_ =	shalt  }
0x57: {  	_ =	shalt  }
0x58: {  	_ =	shalt  }
0x59: {  	_ =	shalt  }
0x5a: {  	_ =	shalt  }
0x5b: {  	_ =	shalt  }
0x5c: {  	_ =	shalt  }
0x5d: {  	_ =	shalt  }
0x5e: {  	_ =	shalt  }
0x5f: {  	_ =	shalt  }
0x60: {  	_ =	shalt  }
0x61: {  	_ =	shalt  }
0x62: {  	_ =	shalt  }
0x63: {  	_ =	shalt  }
0x64: {  	_ =	shalt  }
0x65: {  	_ =	shalt  }
0x66: {  	_ =	shalt  }
0x67: {  	_ =	shalt  }
0x68: {  	_ =	shalt  }
0x69: {  	_ =	shalt  }
0x6a: {  	_ =	shalt  }
0x6b: {  	_ =	shalt  }
0x6c: {  	_ =	shalt  }
0x6d: {  	_ =	shalt  }
0x6e: {  	_ =	shalt  }
0x6f: {  	_ =	shalt  }
0x70: {  	_ =	shalt  }
0x71: {  	_ =	shalt  }
0x72: {  	_ =	shalt  }
0x73: {  	_ =	shalt  }
0x74: {  	_ =	shalt  }
0x75: {  	_ =	shalt  }
0x76: {  	_ =	shalt  }
0x77: {  	_ =	shalt  }
0x78: {  	_ =	shalt  }
0x79: {  	_ =	shalt  }
0x7a: {  	_ =	shalt  }
0x7b: {  	_ =	shalt  }
0x7c: {  	_ =	shalt  }
0x7d: {  	_ =	shalt  }
0x7e: {  	_ =	shalt  }
0x7f: {  	_ =	shalt  }
0x80: {  	_ =	shalt  }
0x81: {  	_ =	shalt  }
0x82: {  	_ =	shalt  }
0x83: {  	_ =	shalt  }
0x84: {  	_ =	shalt  }
0x85: {  	_ =	shalt  }
0x86: {  	_ =	shalt  }
0x87: {  	_ =	shalt  }
.Lfunc_end0:
.L_simem_size_0:
called_computation.1_lowered:
.L_overlay_start_0:
0x88: {  	s2 =	sld [smem:$0x3FD9]  }
0x89: {  	s3 =	sld [smem:$0x3FFE];
	_ =	sdelay $0x1  }
0x8a: {  	s1 =	srdreg.scid  }
0x8b: {  	s0 =	sand.u32 $0x1, s1  }
0x8c: {  	s17 =	sshll.u32 s0, $0xA;
	s2 =	sadd.s32 s3, s2  }
0x8d: {  	s2 =	sadd.s32 s2, s17  }
0x8e: {  	[smem:$0x3FC6] =	sst s2  }
0x8f: {  	_ = 	snop  }
0x90: {  	s2 =	sld [smem:$0x3FD0];
	(tm) =	ssettm $0x1  }
0x91: {  	s18 =	sld [smem:$0x3FFB];
	_ =	sdelay $0x3  }
0x92: {  	_ =	strace s18  }
0x93: {  	s3 =	sld [smem:$0x3FFC];
	_ =	sdelay $0x3  }
0x94: {  	_ =	strace s3  }
0x95: {  	s3 =	sld [smem:$0x3FFD];
	_ =	sdelay $0x3  }
0x96: {  	_ =	strace s3  }
0x97: {  	_ =	strace $0x8FFFFFFF  }
0x98: {  	s19 =	sld [smem:$0x3FDB];
	_ =	sdelay $0x1  }
0x99: {  	s4 =	simm.s32 $_scs_section_size  }
0x9a: {  	s5 =	simm.s32 $_size__tile_overlayer_lowered;
	s6 =	simm.s32 $_tile_overlayer_lowered  }
0x9b: {  	s22 =	simm.s32 $0x1BFF;
	s21 =	sshll.u32 s6, $0x1;
	s3 =	sadd.s32 s4, s19  }
0x9c: {  	s7 =	simm.s32 $0x0;
	s20 =	sshll.u32 s5, $0x1;
	s5 =	sadd.s32 s21, s3  }
0x9d: {  	[timem:s7], [sflag:s22] =	dma.local [hbm:s5], s20  }
0x9e: {  	_ =	swait.ge [sflag:s22], s20  }
0x9f: {  	s4 =	ssub.s32 $0x0, s20;
	[sflag:s22] =	ssyncset.done $0x0  }
0xa0: {  	[sflag:s22] =	ssyncadd.s32 s4;
	_ =	sdelay $0x1  }
0xa1: {  	s23 =	simm.s32 $0x1B8B  }
0xa2: {  	_ =	swait.ge [sflag:s23], $0x1  }
0xa3: {  	[sflag:s23] =	ssyncset.done $0x0  }
0xa4: {  	s25 =	simm.s32 $0x1B8E;
	s24 =	sld [smem:$0x3FFE];
	[sflag:s23] =	ssyncadd.s32 $0xFFFFFFFF  }
0xa5: {  	s26 =	simm.s32 $execute0_lowered;
	[smem:$0x3FD2] =	sst s25  }
0xa6: {  	s5 =	sshll.u32 s26, $0x1;
	_ =	strace $0x80000046;
	[dreg:$0x1] =	wrdreg $0xFFFFFFFF  }
0xa7: {  	s28 =	simm.s32 $_size_execute0_lowered;
	s3 =	sadd.s32 s3, s5;
	[dreg:$0x0] =	wrdreg $0x0  }
0xa8: {  	s5 =	sshll.u32 s28, $0x1;
	[dreg:$0x2] =	wrdreg s3  }
0xa9: {  	[dreg:$0x3] =	wrdreg s5  }
0xaa: {  	[dreg:$0x4] =	wrdreg $0xC0  }
0xab: {  	_ =	task [dreg:s7], $0x5FFFF  }
0xac: {  	[dreg:$0x1] =	wrdreg $0xFFFFFFFF  }
0xad: {  	[dreg:$0x0] =	wrdreg $0x60  }
0xae: {  	[dreg:$0x2] =	wrdreg s2  }
0xaf: {  	[dreg:$0x3] =	wrdreg s24  }
0xb0: {  	[dreg:$0x4] =	wrdreg $0x9  }
0xb1: {  	_ =	task.clear_ibuf [dreg:s7], $0x5FFFF;
	_ =	strace $0x90000046  }
0xb2: {  	s29 =	simm.s32 $0x9;
	_ =	strace $0x80000048  }
0xb3: {  	_ =	swait.ge [sflag:s29], $0x1  }
0xb4: {  	[sflag:s29] =	ssyncadd.s32 $0xFFFFFFFF  }
0xb5: {  	_ =	strace $0x90000048  }
0xb6: {  	_ =	sfence  }
0xb7: {  	s30 =	sld [smem:$0x0];
	_ =	sdelay $0x2  }
0xb8: {  	s31 =	sshll.u32 s1, $0xD;
	s1 =	sshrl.u32 s1, $0x2  }
0xb9: {  	s3 =	sand.u32 $0x4000, s31;
	s1 =	sadd.s32 s1, s30  }
0xba: {  	s0 =	sor.u32 s3, s0;
	s1 =	sshll.u32 s1, $0x11  }
0xbb: {  	s0 =	sor.u32 s1, s0  }
0xbc: {  	s0 =	sadd.s32 $0x8F2B, s0  }
0xbd: {  	[sflag:s0] =	ssyncadd.remote.s32 $0x1  }
0xbe: {  	_ =	sfence.sel $0xFFFF  }
0xbf: {  	[dreg:$0x0] =	wrdreg $0xFFFFFFFF;
	(pc) =	sbr.abs _section_cstart, $3  }
0xc0: {  	[dreg:$0x1] =	wrdreg $0xFFFFFFFF  }
0xc1: {  	_ =	task.clear_ibuf [dreg:s7], $0x2FFFF;
	_ =	strace $0x9FFFFFFF  }
0xc2: {  	(tm) =	ssettm $0x7FFFFFFF  }
0xc3: {  	_ =	shalt  }
tec
execute0_lowered:
.L_overlay_start_1:
0x0: {  	(tag) =	ssettag $0x1  }
0x1: {  	s0 =	rddreg [dreg:$0x0]  }
0x2: {  	s1 =	rddreg [dreg:$0x1];
	s3 =	simm.s32 $0x0  }
0x3: {  	s2 =	srdreg.scid;
	s12 =	stileid.u32;
	s14 =	simm.s32 $0x9  }
0x4: {  	s15 =	simm.s32 $0x190;
	s16 =	simm.s32 $0x6400;
	s17 =	simm.s32 $0xC800  }
0x5: {  	s19 =	simm.s32 $0x12C00;
	s21 =	simm.s32 $0x19000;
	s22 =	simm.s32 $0x1  }
0x6: {  	s28 =	simm.s32 $0x6;
	s29 =	simm.s32 $0x3;
	s8 =	smul.u32 $0xC800, s12  }
0x7: {  	s2 =	sand.u32 $0x1, s2;
	s23 =	sshll.u32 s12, $0x1;
	s26 =	smul.u32 $0xC8000, s12  }
0x8: {  	s30 =	simm.s32 $0x7;
	s4 =	sor.u32 s2, s23;
	s10 =	smul.u32 $0x6400, s2  }
0x9: {  	s31 =	simm.s32 $0x4;
	[smem:$0x7FF] =	sst s3;
	s5 =	smul.u32 $0x320000, s4  }
0xa: {  	s3 =	sadd.s32 $0xF42E00, s1;
	s1 =	sadd.s32 $0xA00, s1;
	s4 =	smul.u32 $0x6400, s4  }
0xb: {  	_ =	strace $0x80000047;
	s6 =	ssub.s32 $0x2, s2;
	s2 =	smul.u32 $0x64000, s2  }
0xc: {  	s23 =	simm.s32 $0x40;
	s7 =	sshrl.u32 s6, $0x1;
	s4 =	sshrl.u32 s4, $0x3  }
0xd: {  	s11 =	ssub.s32 s6, s7;
	s5 =	sshrl.u32 s5, $0x3;
	s0 =	sadd.s32 s0, s4  }
0xe: {  	s25 =	sadd.s32 s10, s8;
	s9 =	sadd.s32 s1, s5;
	[dreg:$0x3] =	wrdreg s0  }
0xf: {  	s24 =	sadd.s32 $0x5DC00, s9;
	s6 =	sadd.s32 $0x5F500, s9;
	s7 =	sadd.s32 $0x60E00, s9  }
0x10: {  	s8 =	sadd.s32 $0x62700, s9;
	s0 =	sshll.u32 s25, $0x4;
	s9 =	smax.u32 s11, $0x1  }
0x11: {  	s25 =	simm.s32 $0x5;
	[dreg:$0x4] =	wrdreg s24;
	s0 =	sadd.s32 s0, s1  }
0x12: {  	s1 =	sadd.s32 s26, s1;
	s24 =	simm.s32 $0x80;
	s26 =	simm.s32 $0x2  }
0x13: {  	s10 =	sadd.s32 $0x4B00, s0;
	s11 =	sadd.s32 $0x3200, s0;
	s12 =	sadd.s32 $0x1900, s0  }
0x14: {  	s13 =	sadd.s32 s2, s1;
	s0 =	simm.s32 $0x8;
	s1 =	simm.s32 $0x0  }
.LBB2_1:
0x15: {  	s2 =	simm.s32 $0x0;
	s4 =	rddreg [dreg:$0x3]  }
0x16: {  	[tilespmem:s2], [sflag:$0x9] =	stream.linear.gather [hbm4b:s4+s2], $0x6400, $0x38;
	[tilespmem:$0x1F400] =	vst v63  }
0x17: {  	_ =	swait.ge [sflag:s14], $0x6400  }
0x18: {  	[sflag:s14] =	ssyncset.done $0x0  }
0x19: {  	[sflag:s14] =	ssyncadd.s32 $0xFFFF9C00  }
0x1a: {  	[tilespmem:s16], [sflag:$0x1] =	stream.indirect.gather [hbm4b:s3+s15], $0x40, s2, s15, $0xb8;
	[tilespmem:$0x1F400] =	vst v63  }
0x1b: {  	_ = 	snop  }
0x1c: {  	[tilespmem:s17], [sflag:$0x2] =	stream.indirect.gather [hbm4b:s3+s15], $0x40, s15, s15, $0xb8;
	[tilespmem:$0x1F400] =	vst v63  }
0x1d: {  	s20 =	simm.s32 $0x320  }
0x1e: {  	[tilespmem:s19], [sflag:$0x3] =	stream.indirect.gather [hbm4b:s3+s15], $0x40, s20, s15, $0xb8;
	[tilespmem:$0x1F400] =	vst v63  }
0x1f: {  	s4 =	simm.s32 $0x4B0  }
0x20: {  	[tilespmem:s21], [sflag:$0x4] =	stream.indirect.gather [hbm4b:s3+s15], $0x40, s4, s15, $0xb8;
	[tilespmem:$0x1F400] =	vst v63  }
0x21: {  	_ =	swait.ge [sflag:s22], $0x6400  }
0x22: {  	[sflag:s22] =	ssyncset.done $0x0  }
0x23: {  	s5 =	sadd.s32 $0x0, s13;
	[sflag:s22] =	ssyncadd.s32 $0xFFFF9C00  }
0x24: {  	[hbm4b:s5+s23] =	stream.strided.scatter [tilespmem:s16], [sflag:$0x5], $0x6400, s24, s23, $0x38;
	[tilespmem:$0x1F400] =	vst v63  }
0x25: {  	_ =	swait.ge [sflag:s25], $0x6400  }
0x26: {  	[sflag:s25] =	ssyncset.done $0x0  }
0x27: {  	s18 =	simm.s32 $0x640;
	[sflag:s25] =	ssyncadd.s32 $0xFFFF9C00  }
0x28: {  	[tilespmem:s16], [sflag:$0x1] =	stream.indirect.gather [hbm4b:s3+s15], $0x40, s18, s15, $0xb8;
	[tilespmem:$0x1F400] =	vst v63  }
0x29: {  	_ =	swait.ge [sflag:s26], $0x6400  }
0x2a: {  	[sflag:s26] =	ssyncset.done $0x0  }
0x2b: {  	s20 =	sadd.s32 $0x0, s12;
	[sflag:s26] =	ssyncadd.s32 $0xFFFF9C00  }
0x2c: {  	[hbm4b:s20+s23] =	stream.strided.scatter [tilespmem:s17], [sflag:$0x6], $0x6400, s24, s23, $0x38;
	[tilespmem:$0x1F400] =	vst v63  }
0x2d: {  	_ =	swait.ge [sflag:s28], $0x6400  }
0x2e: {  	[sflag:s28] =	ssyncset.done $0x0  }
0x2f: {  	s4 =	simm.s32 $0x7D0;
	[sflag:s28] =	ssyncadd.s32 $0xFFFF9C00  }
0x30: {  	[tilespmem:s17], [sflag:$0x2] =	stream.indirect.gather [hbm4b:s3+s15], $0x40, s4, s15, $0xb8;
	[tilespmem:$0x1F400] =	vst v63  }
0x31: {  	_ =	swait.ge [sflag:s29], $0x6400  }
0x32: {  	[sflag:s29] =	ssyncset.done $0x0  }
0x33: {  	s5 =	sadd.s32 $0x0, s11;
	[sflag:s29] =	ssyncadd.s32 $0xFFFF9C00  }
0x34: {  	[hbm4b:s5+s23] =	stream.strided.scatter [tilespmem:s19], [sflag:$0x7], $0x6400, s24, s23, $0x38;
	[tilespmem:$0x1F400] =	vst v63  }
0x35: {  	_ =	swait.ge [sflag:s30], $0x6400  }
0x36: {  	[sflag:s30] =	ssyncset.done $0x0  }
0x37: {  	s18 =	simm.s32 $0x960;
	[sflag:s30] =	ssyncadd.s32 $0xFFFF9C00  }
0x38: {  	[tilespmem:s19], [sflag:$0x3] =	stream.indirect.gather [hbm4b:s3+s15], $0x40, s18, s15, $0xb8;
	[tilespmem:$0x1F400] =	vst v63  }
0x39: {  	_ =	swait.ge [sflag:s31], $0x6400  }
0x3a: {  	[sflag:s31] =	ssyncset.done $0x0  }
0x3b: {  	s20 =	sadd.s32 $0x0, s10;
	[sflag:s31] =	ssyncadd.s32 $0xFFFF9C00  }
0x3c: {  	[hbm4b:s20+s23] =	stream.strided.scatter [tilespmem:s21], [sflag:$0x8], $0x6400, s24, s23, $0x38;
	[tilespmem:$0x1F400] =	vst v63  }
0x3d: {  	_ =	swait.ge [sflag:s0], $0x6400  }
0x3e: {  	s2 =	simm.s32 $0x1130;
	[sflag:s0] =	ssyncset.done $0x0  }
0x3f: {  	s18 =	simm.s32 $0xAF0;
	s20 =	simm.s32 $0x6400;
	[sflag:s0] =	ssyncadd.s32 $0xFFFF9C00  }
.LBB2_2:
0x40: {  	[tilespmem:s21], [sflag:$0x4] =	stream.indirect.gather [hbm4b:s3+s15], $0x40, s18, s15, $0xb8;
	[tilespmem:$0x1F400] =	vst v63  }
0x41: {  	s4 =	smov.u32 s20;
	s18 =	smov.u32 s2  }
0x42: {  	p0 =	sne.s32 s20, $0x57800;
	s20 =	sadd.s32 $0x6400, s20;
	_ =	swait.ge [sflag:s22], $0x6400  }
0x43: {  	[sflag:s22] =	ssyncset.done $0x0  }
0x44: {  	s5 =	sadd.s32 s4, s13;
	[sflag:s22] =	ssyncadd.s32 $0xFFFF9C00  }
0x45: {  	[hbm4b:s5+s23] =	stream.strided.scatter [tilespmem:s16], [sflag:$0x5], $0x6400, s24, s23, $0x38;
	[tilespmem:$0x1F400] =	vst v63  }
0x46: {  	_ =	swait.ge [sflag:s25], $0x6400  }
0x47: {  	[sflag:s25] =	ssyncset.done $0x0  }
0x48: {  	s5 =	sadd.s32 $0xFFFFFB50, s2;
	[sflag:s25] =	ssyncadd.s32 $0xFFFF9C00  }
0x49: {  	[tilespmem:s16], [sflag:$0x1] =	stream.indirect.gather [hbm4b:s3+s15], $0x40, s5, s15, $0xb8;
	[tilespmem:$0x1F400] =	vst v63  }
0x4a: {  	_ =	swait.ge [sflag:s26], $0x6400  }
0x4b: {  	[sflag:s26] =	ssyncset.done $0x0  }
0x4c: {  	s5 =	sadd.s32 s4, s12;
	[sflag:s26] =	ssyncadd.s32 $0xFFFF9C00  }
0x4d: {  	[hbm4b:s5+s23] =	stream.strided.scatter [tilespmem:s17], [sflag:$0x6], $0x6400, s24, s23, $0x38;
	[tilespmem:$0x1F400] =	vst v63  }
0x4e: {  	_ =	swait.ge [sflag:s28], $0x6400  }
0x4f: {  	[sflag:s28] =	ssyncset.done $0x0  }
0x50: {  	s5 =	sadd.s32 $0xFFFFFCE0, s2;
	[sflag:s28] =	ssyncadd.s32 $0xFFFF9C00  }
0x51: {  	[tilespmem:s17], [sflag:$0x2] =	stream.indirect.gather [hbm4b:s3+s15], $0x40, s5, s15, $0xb8;
	[tilespmem:$0x1F400] =	vst v63  }
0x52: {  	_ =	swait.ge [sflag:s29], $0x6400  }
0x53: {  	[sflag:s29] =	ssyncset.done $0x0  }
0x54: {  	s5 =	sadd.s32 s4, s11;
	[sflag:s29] =	ssyncadd.s32 $0xFFFF9C00  }
0x55: {  	[hbm4b:s5+s23] =	stream.strided.scatter [tilespmem:s19], [sflag:$0x7], $0x6400, s24, s23, $0x38;
	[tilespmem:$0x1F400] =	vst v63  }
0x56: {  	_ =	swait.ge [sflag:s30], $0x6400  }
0x57: {  	[sflag:s30] =	ssyncset.done $0x0  }
0x58: {  	s5 =	sadd.s32 $0xFFFFFE70, s2;
	[sflag:s30] =	ssyncadd.s32 $0xFFFF9C00  }
0x59: {  	[tilespmem:s19], [sflag:$0x3] =	stream.indirect.gather [hbm4b:s3+s15], $0x40, s5, s15, $0xb8;
	[tilespmem:$0x1F400] =	vst v63  }
0x5a: {  	_ =	swait.ge [sflag:s31], $0x6400  }
0x5b: {  	[sflag:s31] =	ssyncset.done $0x0  }
.Ltmp0:
0x5c: {  	s4 =	sadd.s32 s4, s10;
	[sflag:s31] =	ssyncadd.s32 $0xFFFF9C00;
	(pc) =	sbr.rel @p0 .LBB2_2-.Ltmp0, $4  }
0x5d: {  	[hbm4b:s4+s23] =	stream.strided.scatter [tilespmem:s21], [sflag:$0x8], $0x6400, s24, s23, $0x38;
	[tilespmem:$0x1F400] =	vst v63  }
0x5e: {  	_ =	swait.ge [sflag:s0], $0x6400  }
0x5f: {  	[sflag:s0] =	ssyncset.done $0x0  }
0x60: {  	s2 =	sadd.s32 $0x640, s2;
	[sflag:s0] =	ssyncadd.s32 $0xFFFF9C00  }
0x61: {  	[tilespmem:s21], [sflag:$0x4] =	stream.indirect.gather [hbm4b:s3+s15], $0x40, s18, s15, $0xb8;
	[tilespmem:$0x1F400] =	vst v63  }
0x62: {  	_ =	swait.ge [sflag:s22], $0x6400  }
0x63: {  	[sflag:s22] =	ssyncset.done $0x0  }
0x64: {  	s2 =	rddreg [dreg:$0x4];
	[sflag:s22] =	ssyncadd.s32 $0xFFFF9C00  }
0x65: {  	[hbm4b:s2+s23] =	stream.strided.scatter [tilespmem:s16], [sflag:$0x5], $0x6400, s24, s23, $0x38;
	[tilespmem:$0x1F400] =	vst v63  }
0x66: {  	_ =	swait.ge [sflag:s25], $0x6400  }
0x67: {  	[sflag:s25] =	ssyncset.done $0x0  }
0x68: {  	[sflag:s25] =	ssyncadd.s32 $0xFFFF9C00  }
0x69: {  	_ =	swait.ge [sflag:s26], $0x6400  }
0x6a: {  	[sflag:s26] =	ssyncset.done $0x0  }
0x6b: {  	[sflag:s26] =	ssyncadd.s32 $0xFFFF9C00  }
0x6c: {  	[hbm4b:s6+s23] =	stream.strided.scatter [tilespmem:s17], [sflag:$0x6], $0x6400, s24, s23, $0x38;
	[tilespmem:$0x1F400] =	vst v63  }
0x6d: {  	_ =	swait.ge [sflag:s28], $0x6400  }
0x6e: {  	[sflag:s28] =	ssyncset.done $0x0  }
0x6f: {  	[sflag:s28] =	ssyncadd.s32 $0xFFFF9C00  }
0x70: {  	_ =	swait.ge [sflag:s29], $0x6400  }
0x71: {  	[sflag:s29] =	ssyncset.done $0x0  }
0x72: {  	[sflag:s29] =	ssyncadd.s32 $0xFFFF9C00  }
0x73: {  	[hbm4b:s7+s23] =	stream.strided.scatter [tilespmem:s19], [sflag:$0x7], $0x6400, s24, s23, $0x38;
	[tilespmem:$0x1F400] =	vst v63  }
0x74: {  	_ =	swait.ge [sflag:s30], $0x6400  }
0x75: {  	[sflag:s30] =	ssyncset.done $0x0  }
0x76: {  	[sflag:s30] =	ssyncadd.s32 $0xFFFF9C00  }
0x77: {  	s1 =	sadd.s32 $0x1, s1;
	_ =	swait.ge [sflag:s31], $0x6400  }
0x78: {  	p0 =	sne.s32 s1, s9;
	[sflag:s31] =	ssyncset.done $0x0  }
.Ltmp1:
0x79: {  	[sflag:s31] =	ssyncadd.s32 $0xFFFF9C00;
	(pc) =	sbr.rel @p0 .LBB2_1-.Ltmp1, $4  }
0x7a: {  	[hbm4b:s8+s23] =	stream.strided.scatter [tilespmem:s21], [sflag:$0x8], $0x6400, s24, s23, $0x38;
	[tilespmem:$0x1F400] =	vst v63  }
0x7b: {  	_ =	swait.ge [sflag:s0], $0x6400  }
0x7c: {  	[sflag:s0] =	ssyncset.done $0x0  }
0x7d: {  	[sflag:s0] =	ssyncadd.s32 $0xFFFF9C00  }
0x7e: {  	_ =	sfence.sel $0x180000  }
0x7f: {  	[bflag:$0x0] =	sbarrier.arrive $0xFFFF  }
0x80: {  	_ =	strace $0x90000047  }
0x81: {  	s0 =	stileid.u32;
	[bflag:$0x2] =	sbarrier.arrive $0xFFFF  }
0x82: {  	p0 =	sne.s32 s0, $0x0;
	s0 =	rddreg [dreg:$0x2]  }
0x83: {  	s0 =	sadd.s32 @!p0 $0x100000, s0  }
0x84: {  	[sflag:s0] =	ssyncadd.tile.s32 @!p0 $0x1;
	_ =	shalt  }
.Lfunc_end2:
_tile_overlayer_lowered:
.L_overlay_start_2:
0x85: {  	(tag) =	ssettag $0x2  }
0x86: {  	s0 =	rddreg [dreg:$0x0];
	s2 =	stileid.u32  }
0x87: {  	s1 =	rddreg [dreg:$0x1];
	p0 =	sne.s32 s2, $0x0  }
0x88: {  	s3 =	rddreg [dreg:$0x2];
	[bflag:$0x3] =	sbarrier.arrive $0xFFFF;
	s2 =	simm.s32 @!p0 $0x1C09  }
0x89: {  	[timem:s3], [sflag:s2] =	dma.local @!p0 [hbm:s0], s1  }
0x8a: {  	s0 =	simm.s32 @!p0 $0x9  }
0x8b: {  	_ =	swait.ge @!p0 [sflag:s0], s1  }
0x8c: {  	s1 =	ssub.s32 @!p0 $0x0, s1;
	[sflag:s0] =	ssyncset.done @!p0 $0x0  }
0x8d: {  	[sflag:s0] =	ssyncadd.s32 @!p0 s1  }
0x8e: {  	[bflag:$0x3] =	sbarrier.arrive $0xFFFF  }
0x8f: {  	_ =	shalt  }

// kernel: sparse-core-data-format-call.cloned.1.call-start
scs
called_computation_lowered:
.L_overlay_start_0:
0x0: {  	s2 =	sld [smem:$0x3FD9]  }
0x1: {  	s3 =	sld [smem:$0x3FFE];
	_ =	sdelay $0x1  }
0x2: {  	s1 =	srdreg.scid  }
0x3: {  	s0 =	sand.u32 $0x1, s1  }
0x4: {  	s18 =	sshll.u32 s0, $0xA;
	s2 =	sadd.s32 s3, s2  }
0x5: {  	s2 =	sadd.s32 s2, s18  }
0x6: {  	[smem:$0x3FC6] =	sst s2  }
0x7: {  	_ = 	snop  }
0x8: {  	s2 =	sld [smem:$0x3FD0];
	(tm) =	ssettm $0x1  }
0x9: {  	s19 =	sld [smem:$0x3FFB];
	_ =	sdelay $0x3  }
0xa: {  	_ =	strace s19  }
0xb: {  	s3 =	sld [smem:$0x3FFC];
	_ =	sdelay $0x3  }
0xc: {  	_ =	strace s3  }
0xd: {  	s3 =	sld [smem:$0x3FFD];
	_ =	sdelay $0x3  }
0xe: {  	_ =	strace s3  }
0xf: {  	_ =	strace $0x8FFFFFFF  }
0x10: {  	s20 =	sld [smem:$0x3FDB];
	_ =	sdelay $0x1  }
0x11: {  	s4 =	simm.s32 $_scs_section_size  }
0x12: {  	s5 =	simm.s32 $_size__tile_overlayer_lowered;
	s6 =	simm.s32 $_tile_overlayer_lowered  }
0x13: {  	s23 =	simm.s32 $0x1BFF;
	s22 =	sshll.u32 s6, $0x1;
	s3 =	sadd.s32 s4, s20  }
0x14: {  	s7 =	simm.s32 $0x0;
	s21 =	sshll.u32 s5, $0x1;
	s5 =	sadd.s32 s22, s3  }
0x15: {  	[timem:s7], [sflag:s23] =	dma.local [hbm:s5], s21  }
0x16: {  	_ =	swait.ge [sflag:s23], s21  }
0x17: {  	s4 =	ssub.s32 $0x0, s21;
	[sflag:s23] =	ssyncset.done $0x0  }
0x18: {  	[sflag:s23] =	ssyncadd.s32 s4;
	_ =	sdelay $0x1  }
0x19: {  	s24 =	simm.s32 $0x1B8B  }
0x1a: {  	_ =	swait.ge [sflag:s24], $0x1  }
0x1b: {  	[sflag:s24] =	ssyncset.done $0x0  }
0x1c: {  	s26 =	simm.s32 $0x1B8E;
	s25 =	sld [smem:$0x3FFE];
	[sflag:s24] =	ssyncadd.s32 $0xFFFFFFFF  }
0x1d: {  	s27 =	simm.s32 $execute0_lowered;
	[smem:$0x3FD2] =	sst s26  }
0x1e: {  	s5 =	sshll.u32 s27, $0x1;
	_ =	strace $0x80000049;
	[dreg:$0x1] =	wrdreg $0xFFFFFFFF  }
0x1f: {  	s28 =	simm.s32 $_size_execute0_lowered;
	s3 =	sadd.s32 s3, s5;
	[dreg:$0x0] =	wrdreg $0x0  }
0x20: {  	s5 =	sshll.u32 s28, $0x1;
	[dreg:$0x2] =	wrdreg s3  }
0x21: {  	[dreg:$0x3] =	wrdreg s5  }
0x22: {  	[dreg:$0x4] =	wrdreg $0xC0  }
0x23: {  	_ =	task [dreg:s7], $0x5FFFF  }
0x24: {  	[dreg:$0x1] =	wrdreg $0xFFFFFFFF  }
0x25: {  	[dreg:$0x0] =	wrdreg $0x60  }
0x26: {  	[dreg:$0x2] =	wrdreg s25  }
0x27: {  	[dreg:$0x3] =	wrdreg s2  }
0x28: {  	[dreg:$0x4] =	wrdreg $0x9  }
0x29: {  	_ =	task.clear_ibuf [dreg:s7], $0x5FFFF;
	_ =	strace $0x90000049  }
0x2a: {  	s29 =	simm.s32 $0x9;
	_ =	strace $0x8000004B  }
0x2b: {  	_ =	swait.ge [sflag:s29], $0x1  }
0x2c: {  	[sflag:s29] =	ssyncadd.s32 $0xFFFFFFFF  }
0x2d: {  	_ =	strace $0x9000004B  }
0x2e: {  	_ =	sfence  }
0x2f: {  	s30 =	sld [smem:$0x0];
	_ =	sdelay $0x2  }
0x30: {  	s31 =	sshll.u32 s1, $0xD;
	s1 =	sshrl.u32 s1, $0x2  }
0x31: {  	s3 =	sand.u32 $0x4000, s31;
	s1 =	sadd.s32 s1, s30  }
0x32: {  	s0 =	sor.u32 s3, s0;
	s1 =	sshll.u32 s1, $0x11  }
0x33: {  	s0 =	sor.u32 s1, s0  }
0x34: {  	s0 =	sadd.s32 $0x8F2B, s0  }
0x35: {  	[sflag:s0] =	ssyncadd.remote.s32 $0x1  }
0x36: {  	_ =	sfence.sel $0xFFFF  }
0x37: {  	[dreg:$0x0] =	wrdreg $0xFFFFFFFF;
	(pc) =	sbr.abs _section_cstart, $3  }
0x38: {  	[dreg:$0x1] =	wrdreg $0xFFFFFFFF  }
0x39: {  	_ =	task.clear_ibuf [dreg:s7], $0x2FFFF;
	_ =	strace $0x9FFFFFFF  }
0x3a: {  	(tm) =	ssettm $0x7FFFFFFF  }
0x3b: {  	_ =	shalt  }
tec
execute0_lowered:
.L_overlay_start_1:
0x0: {  	(tag) =	ssettag $0x1  }
0x1: {  	s0 =	srdreg.scid  }
0x2: {  	s1 =	sshll.u32 s0, $0x4  }
0x3: {  	s0 =	stileid.u32;
	s1 =	sand.u32 $0x10, s1  }
0x4: {  	s1 =	sor.u32 s0, s1  }
0x5: {  	s6 =	rddreg [dreg:$0x0];
	s4 =	simm.s32 $0x1;
	s2 =	sshll.u32 s1, $0x7  }
0x6: {  	s7 =	simm.s32 $0x2;
	s12 =	simm.s32 $0x0;
	s1 =	ssub.s32 $0x1000, s2  }
0x7: {  	s8 =	simm.s32 $0x8000;
	s13 =	simm.s32 $0x0;
	s3 =	sand.u32 $0xF80, s1  }
0x8: {  	s9 =	simm.s32 $0x0;
	s5 =	sshrl.u32 s1, $0xC;
	p0 =	sne.s32 s3, $0x0  }
.Ltmp0:
0x9: {  	s1 =	rddreg [dreg:$0x2];
	s4 =	simm.s32 @!p0 $0x0;
	(pc) =	sbr.rel .LBB1_1-.Ltmp0, $4  }
0xa: {  	s11 =	simm.s32 $0x0;
	s3 =	rddreg [dreg:$0x1];
	s5 =	sadd.s32 s4, s5  }
0xb: {  	_ =	strace $0x8000004A;
	s4 =	simm.s32 $0x1;
	s5 =	smul.u32 $0xC8, s5  }
0xc: {  	s6 =	sadd.s32 $0xA00, s6;
	s10 =	smov.u32 s2;
	[sflag:s4] =	ssyncpa.u1 $0x0  }
0xd: {  	p0 =	por $0x0, $0x0;
	[sflag:s7] =	ssyncpa.u1 $0x0;
	s7 =	sor.u32 $0x1, s5  }
.LBB1_4:
0xe: {  	s16 =	sshll.u32 s13, $0x3;
	s17 =	sand.u32 $0x78, s13  }
0xf: {  	s30 =	sand.u32 $0x7E00, s13;
	s12 =	sshll.u32 s12, $0xF;
	s16 =	sand.u32 $0xC00, s16  }
0x10: {  	[tilespmem:s15+$0x810 ss:$0x81] =	vst.msk $0xffff, v2;
	s31 =	sand.u32 $0x7, s13;
	s16 =	sor.u32 s17, s16;
	s17 =	sadd.s32 s3, s30  }
0x11: {  	[tilespmem:s15+$0x1020 ss:$0x81] =	vst.msk $0xffff, v0;
	s13 =	sshll.u32 s31, $0x12;
	s12 =	sadd.s32 s12, s17;
	s16 =	sshrl.u32 s16, $0x3  }
0x12: {  	[tilespmem:s15+$0x0 ss:$0x81] =	vst.msk $0xffff, v1;
	s13 =	sor.u32 $0x400, s13;
	s12 =	sadd.s32 s16, s12  }
0x13: {  	[hbm4b:s12+s13] =	stream.strided.scatter [tilespmem:s14], [sflag:$0x2], $0x2000, s8, s13, $0x20;
	[tilespmem:$0x8080] =	vst v63  }
.LBB1_5:
0x14: {  	s14 =	sadd.s32 $0x1, s9  }
0x15: {  	s12 =	sadd.s32 $0x1000, s10;
	s16 =	smov.u32 s10;
	p2 =	sgt.s32 s14, $0xC7  }
0x16: {  	s16 =	smov.u32 @p2 s12  }
0x17: {  	s14 =	simm.s32 @p2 $0x0;
	p2 =	sgt.s32 s16, $0xFFF  }
0x18: {  	s16 =	smov.u32 @p2 s2;
	p2 =	sne.s32 s11, s7  }
.Ltmp1:
0x19: {  	p1 =	slt.u32 s11, $0x2;
	(pc) =	sbr.rel @!p2 .LBB1_6-.Ltmp1, $4  }
0x1a: {  	s15 =	simm.s32 @!p1 $0x2  }
0x1b: {  	s13 =	smov.u32 s10;
	p0 =	por !p0, !p0;
	_ =	swait.ge @!p1 [sflag:s15], $0x2000  }
0x1c: {  	s12 =	smov.u32 s9;
	[sflag:s15] =	ssyncset.done @!p1 $0x0;
	s9 =	smov.u32 s14  }
0x1d: {  	s11 =	sadd.s32 $0x1, s11;
	[sflag:s15] =	ssyncadd.s32 @!p1 $0xFFFFE000;
	s10 =	smov.u32 s16  }
.LBB1_1:
0x1e: {  	p1 =	sge.u32 s11, s5  }
0x1f: {  	s14 =	sand.u32 @!p1 $0x1FFFFFF, s9  }
0x20: {  	s15 =	smulhi.u32 @!p1 $0x147AE15, s14;
	_ =	sdelay $0x1  }
0x21: {  	s15 =	smul.u32 @!p1 $0xC8, s15  }
0x22: {  	s16 =	sxor.u32 @!p1 $0xFFFFFFFF, s11;
	s17 =	smul.u32 @!p1 $0xC80, s10  }
0x23: {  	s31 =	sadd.s32 $0xFFFFFFFF, s11;
	s16 =	sshll.u32 @!p1 s16, $0xD;
	s14 =	ssub.s32 @!p1 s14, s15  }
0x24: {  	s15 =	sand.u32 @!p1 $0x2000, s16;
	s16 =	sadd.s32 @!p1 s6, s17;
	s14 =	sshll.u32 @!p1 s14, $0x4  }
0x25: {  	s17 =	simm.s32 @!p1 $0x6400;
	s14 =	sadd.s32 @!p1 s14, s16;
	s16 =	simm.s32 @!p1 $0x40  }
0x26: {  	[tilespmem:s15], [sflag:$0x1] =	stream.strided.gather @!p1 [hbm4b:s14+s16], $0x2000, s17, s16, $0x38;
	[tilespmem:$0x8080] =	vst v63  }
0x27: {  	p1 =	sge.u32 s31, s5  }
.Ltmp2:
0x28: {  	_ = 	snop;
	(pc) =	sbr.rel @p1 .LBB1_5-.Ltmp2, $1  }
0x29: {  	_ =	sdelay $0x3  }
0x2a: {  	s14 =	simm.s32 $0x1  }
0x2b: {  	_ =	swait.ge [sflag:s4], $0x2000;
	s14 =	simm.s32 @!p0 $0x0  }
0x2c: {  	[sflag:s4] =	ssyncset.done $0x0;
	s15 =	sshll.u32 s14, $0xD  }
0x2d: {  	[sflag:s4] =	ssyncadd.s32 $0xFFFFE000;
	s18 =	sor.u32 $0x20, s15  }
0x2e: {  	s14 =	smul.u32 $0x8100, s14;
	v3 =	vld [tilespmem:s18+$0x10]  }
0x2f: {  	s30 =	sand.u32 $0x1, s11;
	v2 =	vld [tilespmem:s18+$0xFFFFFFF0]  }
0x30: {  	s15 =	smul.u32 $0x8100, s30;
	s14 =	sshrl.u32 s14, $0x2;
	v0 =	vld [tilespmem:s18+$0x0]  }
0x31: {  	v1 =	vld [tilespmem:s18+$0xFFFFFFE0];
	s16 =	sor.u32 $0x4000, s14  }
0x32: {  	s31 =	sshrl.u32 s15, $0x2;
	s15 =	sadd.s32 $0x0, s16  }
0x33: {  	s17 =	simm.s32 $0x4;
	s18 =	sadd.s32 $0x40, s18;
	s14 =	sor.u32 $0x4000, s31;
	[tilespmem:s15+$0x1830 ss:$0x81] =	vst.msk $0xffff, v3  }
.LBB1_3:
0x34: {  	v3 =	vld [tilespmem:s18+$0x10];
	p1 =	sne.s32 s17, $0x1FC;
	[tilespmem:s15+$0x810 ss:$0x81] =	vst.msk $0xffff, v2;
	s19 =	smov.u32 s17;
	s17 =	sadd.s32 $0x4, s17  }
.Ltmp3:
0x35: {  	v2 =	vld [tilespmem:s18+$0xFFFFFFF0];
	[tilespmem:s15+$0x1020 ss:$0x81] =	vst.msk $0xffff, v0;
	(pc) =	sbr.rel @p1 .LBB1_3-.Ltmp3, $4  }
0x36: {  	v0 =	vld [tilespmem:s18+$0x0];
	[tilespmem:s15+$0x0 ss:$0x81] =	vst.msk $0xffff, v1  }
0x37: {  	s15 =	sshra.s32 s19, $0x2;
	v1 =	vld [tilespmem:s18+$0xFFFFFFE0]  }
0x38: {  	s15 =	sadd.s32 s15, s16  }
0x39: {  	s18 =	sadd.s32 $0x40, s18;
	[tilespmem:s15+$0x1830 ss:$0x81] =	vst.msk $0xffff, v3  }
.Ltmp4:
0x3a: {  	_ = 	snop;
	(pc) =	sbr.rel .LBB1_4-.Ltmp4, $1  }
0x3b: {  	_ =	sdelay $0x3  }
.LBB1_6:
0x3c: {  	_ =	sfence.sel $0x180000  }
0x3d: {  	s2 =	simm.s32 $0x1;
	[bflag:$0x0] =	sbarrier.arrive $0xFFFF  }
0x3e: {  	s31 =	simm.s32 $0x2;
	[sflag:s2] =	ssyncpa.u1 $0x1  }
0x3f: {  	[sflag:s31] =	ssyncpa.u1 $0x1  }
0x40: {  	p0 =	sne.s32 s0, $0x0;
	_ =	strace $0x9000004A  }
0x41: {  	s0 =	sadd.s32 @!p0 $0x100000, s1;
	[bflag:$0x2] =	sbarrier.arrive $0xFFFF  }
0x42: {  	[sflag:s0] =	ssyncadd.tile.s32 @!p0 $0x1;
	_ =	shalt  }
.Lfunc_end1:
_tile_overlayer_lowered:
.L_overlay_start_2:
0x43: {  	(tag) =	ssettag $0x2  }
0x44: {  	s0 =	rddreg [dreg:$0x0];
	s2 =	stileid.u32  }
0x45: {  	s1 =	rddreg [dreg:$0x1];
	p0 =	sne.s32 s2, $0x0  }
0x46: {  	s3 =	rddreg [dreg:$0x2];
	[bflag:$0x3] =	sbarrier.arrive $0xFFFF;
	s2 =	simm.s32 @!p0 $0x1C01  }
0x47: {  	[timem:s3], [sflag:s2] =	dma.local @!p0 [hbm:s0], s1  }
0x48: {  	s0 =	simm.s32 @!p0 $0x1  }
0x49: {  	_ =	swait.ge @!p0 [sflag:s0], s1  }
0x4a: {  	s1 =	ssub.s32 @!p0 $0x0, s1;
	[sflag:s0] =	ssyncset.done @!p0 $0x0  }
0x4b: {  	[sflag:s0] =	ssyncadd.s32 @!p0 s1  }
0x4c: {  	[bflag:$0x3] =	sbarrier.arrive $0xFFFF  }
0x4d: {  	_ =	shalt  }

</sc_bundles>
